<compile_context>
chip_gen: v7x
topology: tpu7x:2x2x1
jax: 0.10.2.dev20260603
libtpu: 0.0.44.dev20260713+nightly
codegen_flags: <defaults>
</compile_context>

<pallas_src>
import jax
import jax.numpy as jnp
from jax import lax
from jax.experimental import pallas as pl
from jax.experimental.pallas import tpu as pltpu
from jax.experimental.pallas import tpu_sc as plsc

N_ROWS = 1_000_000
D = 32
N_IDX = 16_384
WCOLS = 2688
MAIN_COLS = 999_936
N_WIN = MAIN_COLS // WCOLS
N_WORKERS = 32
VCH = 56
SVB = 64

_mesh = plsc.VectorSubcoreMesh(core_axis_name="c", subcore_axis_name="s")


def _sc_body(xt_hbm, sidx_hbm, sval_hbm, order_hbm, wstart_hbm, out_hbm,
             win_v, sidx_v, sval_v, order_v, wstart_v):
  nc = 2
  wid = lax.axis_index("s") * nc + lax.axis_index("c")

  pltpu.sync_copy(sidx_hbm, sidx_v.at[pl.ds(0, N_IDX)])
  pltpu.sync_copy(order_hbm, order_v.at[pl.ds(0, N_IDX)])
  pltpu.sync_copy(wstart_hbm, wstart_v.at[pl.ds(0, N_WIN + 5)])

  iota16 = lax.iota(jnp.int32, 16)

  @pl.loop(wid, N_WIN, step=N_WORKERS)
  def _window(w):
    col0 = w * WCOLS
    pltpu.sync_copy(xt_hbm.at[:, pl.ds(col0, WCOLS)], win_v)
    bounds = plsc.load_gather(wstart_v, [w + iota16])
    s0 = bounds[0]
    e0 = bounds[1]
    nch = (e0 - s0 + (VCH - 1)) // VCH

    @pl.loop(0, nch)
    def _chunk(k):
      off = s0 + k * VCH
      offc = jnp.minimum((off // 8) * 8, N_IDX - SVB)
      pltpu.sync_copy(sval_hbm.at[order_v.at[pl.ds(offc, SVB)]], sval_v)
      lim = jnp.minimum(e0 - off, VCH)

      @pl.loop(0, lim)
      def _pos(t):
        p = off + t
        rsplat = jnp.full((16,), p - offc, jnp.int32)
        cvec = plsc.load_gather(sidx_v, [jnp.full((16,), p, jnp.int32)])
        cvec = cvec - col0
        v0 = plsc.load_gather(sval_v, [rsplat, iota16])
        v1 = plsc.load_gather(sval_v, [rsplat, iota16 + 16])
        plsc.addupdate_scatter(win_v, [iota16, cvec], v0)
        plsc.addupdate_scatter(win_v, [iota16 + 16, cvec], v1)

    pltpu.sync_copy(win_v, out_hbm.at[:, pl.ds(col0, WCOLS)])


_sc_sweep = pl.kernel(
    _sc_body,
    out_type=jax.ShapeDtypeStruct((D, N_ROWS), jnp.float32),
    mesh=_mesh,
    scratch_types=[
        pltpu.VMEM((D, WCOLS), jnp.float32),
        pltpu.VMEM((N_IDX + 16,), jnp.int32),
        pltpu.VMEM((SVB, 128), jnp.float32),
        pltpu.VMEM((N_IDX + 16,), jnp.int32),
        pltpu.VMEM((N_WIN + 21,), jnp.int32),
    ],
    compiler_params=pltpu.CompilerParams(needs_layout_passes=False),
)


def kernel(x, indices, values):
  idx = indices.astype(jnp.int32)
  sidx, order = lax.sort(
      (idx, jnp.arange(N_IDX, dtype=jnp.int32)), num_keys=1,
      is_stable=False)
  svals = jnp.pad(values.astype(jnp.float32), ((0, 0), (0, 96)))
  wstart = jnp.searchsorted(
      sidx, jnp.arange(N_WIN + 5, dtype=jnp.int32) * WCOLS,
      side="left", method="compare_all").astype(jnp.int32)

  out_t = _sc_sweep(x.T, sidx, svals, order, wstart)

  tail_rows = jnp.arange(N_ROWS - MAIN_COLS, dtype=jnp.int32) + MAIN_COLS
  onehot = (tail_rows[:, None] == idx[None, :]).astype(jnp.float32)
  tail_out = x[MAIN_COLS:, :] + jnp.matmul(onehot, values, precision=lax.Precision.HIGHEST)
  out = out_t.T
  return lax.dynamic_update_slice(out, tail_out, (MAIN_COLS, 0))

# --- scband reference (transcript-rebuilt; emitter-appended) ---
"""Pipeline reference for scband-model-20598663151737 (READ-ONLY COPY).

The authoritative reference and input builder live on the scoring server;
editing this copy changes nothing except your own understanding.
"""

import jax, jax.numpy as jnp
import numpy as np

def setup_inputs(seed: int = 0) -> dict:
    key = jax.random.key(seed)
    k1, k2, k3 = jax.random.split(key, 3)
    x = jax.random.normal(k1, (1000000, 32), dtype=jnp.float32)
    indices = jax.random.randint(k2, (16384,), 0, 1000000, dtype=jnp.int64)
    values = jax.random.normal(k3, (16384, 32), dtype=jnp.float32)
    return {"x": x, "indices": indices, "values": values}

def reference(x, indices, values):
    # torch: x.index_add(dim=0, index=indices, source=values)  (out-of-place)
    return x.at[indices].add(values)

if __name__ == "__main__":
    import jax
    _d = setup_inputs()
    print(jax.jit(kernel)(*tuple(_d.values())))

</pallas_src>

<mosaic_0001>
#map = affine_map<(d0, d1) -> (0, 0)>
#map1 = affine_map<(d0, d1) -> (0)>
module attributes {stable_mosaic.version = 14 : i64} {
  func.func @_sc_body(%arg0: i32, %arg1: i32, %arg2: memref<32x1000000xf32, #tpu.memory_space<hbm>>, %arg3: memref<16384xi32, #tpu.memory_space<hbm>>, %arg4: memref<16384x128xf32, #tpu.memory_space<hbm>>, %arg5: memref<16384xi32, #tpu.memory_space<hbm>>, %arg6: memref<377xi32, #tpu.memory_space<hbm>>, %arg7: memref<32x1000000xf32, #tpu.memory_space<hbm>>, %arg8: memref<32x2688xf32, #tpu.memory_space<vmem>>, %arg9: memref<16400xi32, #tpu.memory_space<vmem>>, %arg10: memref<64x128xf32, #tpu.memory_space<vmem>>, %arg11: memref<16400xi32, #tpu.memory_space<vmem>>, %arg12: memref<393xi32, #tpu.memory_space<vmem>>) attributes {dimension_semantics = [#tpu.dimension_semantics<core_parallel>, #tpu.dimension_semantics<subcore_parallel>], iteration_bounds = array<i64: 2, 16>, scalar_prefetch = 0 : i64, scratch_operands = 5 : i64, tpu.core_type = #tpu.core_type<sc_vector_subcore>, window_params = [{transform_indices = #map}, {transform_indices = #map1}, {transform_indices = #map}, {transform_indices = #map1}, {transform_indices = #map1}, {transform_indices = #map}]} {
    %mul3A = arith.constant 2 : i32
    %mul3A_0 = arith.muli %arg1, %mul3A : i32
    %add3A = arith.addi %mul3A_0, %arg0 : i32
    "tpu.region"() ({
      %run_scoped3A = tpu.sem_alloc : memref<!tpu.dma_semaphore, #tpu.memory_space<semaphore_mem>>
      %dma_start3A = arith.constant 0 : i32
      %dma_start3A_16 = tpu.memref_slice %arg9[%dma_start3A] : memref<16400xi32, #tpu.memory_space<vmem>> -> memref<16384xi32, #tpu.memory_space<vmem>>
      %dma_start3A_17 = arith.constant 0 : i32
      %dma_start3A_18 = tpu.memref_slice %arg9[%dma_start3A_17] : memref<16400xi32, #tpu.memory_space<vmem>> -> memref<16384xi32, #tpu.memory_space<vmem>>
      tpu.enqueue_dma source(%arg3 : memref<16384xi32, #tpu.memory_space<hbm>>) target(%dma_start3A_18 : memref<16384xi32, #tpu.memory_space<vmem>>) target_semaphore(%run_scoped3A : memref<!tpu.dma_semaphore, #tpu.memory_space<semaphore_mem>>)
      %dma_wait3A = arith.constant 0 : i32
      %dma_wait3A_19 = tpu.memref_slice %arg9[%dma_wait3A] : memref<16400xi32, #tpu.memory_space<vmem>> -> memref<16384xi32, #tpu.memory_space<vmem>>
      %dma_wait3A_20 = arith.constant 0 : i32
      %dma_wait3A_21 = tpu.memref_slice %arg9[%dma_wait3A_20] : memref<16400xi32, #tpu.memory_space<vmem>> -> memref<16384xi32, #tpu.memory_space<vmem>>
      tpu.wait_dma2 semaphore(%run_scoped3A : memref<!tpu.dma_semaphore, #tpu.memory_space<semaphore_mem>>) src(%arg3 : memref<16384xi32, #tpu.memory_space<hbm>>) dst(%dma_wait3A_21 : memref<16384xi32, #tpu.memory_space<vmem>>)
      tpu.yield
    }) : () -> ()
    "tpu.region"() ({
      %run_scoped3A = tpu.sem_alloc : memref<!tpu.dma_semaphore, #tpu.memory_space<semaphore_mem>>
      %dma_start3A = arith.constant 0 : i32
      %dma_start3A_16 = tpu.memref_slice %arg11[%dma_start3A] : memref<16400xi32, #tpu.memory_space<vmem>> -> memref<16384xi32, #tpu.memory_space<vmem>>
      %dma_start3A_17 = arith.constant 0 : i32
      %dma_start3A_18 = tpu.memref_slice %arg11[%dma_start3A_17] : memref<16400xi32, #tpu.memory_space<vmem>> -> memref<16384xi32, #tpu.memory_space<vmem>>
      tpu.enqueue_dma source(%arg5 : memref<16384xi32, #tpu.memory_space<hbm>>) target(%dma_start3A_18 : memref<16384xi32, #tpu.memory_space<vmem>>) target_semaphore(%run_scoped3A : memref<!tpu.dma_semaphore, #tpu.memory_space<semaphore_mem>>)
      %dma_wait3A = arith.constant 0 : i32
      %dma_wait3A_19 = tpu.memref_slice %arg11[%dma_wait3A] : memref<16400xi32, #tpu.memory_space<vmem>> -> memref<16384xi32, #tpu.memory_space<vmem>>
      %dma_wait3A_20 = arith.constant 0 : i32
      %dma_wait3A_21 = tpu.memref_slice %arg11[%dma_wait3A_20] : memref<16400xi32, #tpu.memory_space<vmem>> -> memref<16384xi32, #tpu.memory_space<vmem>>
      tpu.wait_dma2 semaphore(%run_scoped3A : memref<!tpu.dma_semaphore, #tpu.memory_space<semaphore_mem>>) src(%arg5 : memref<16384xi32, #tpu.memory_space<hbm>>) dst(%dma_wait3A_21 : memref<16384xi32, #tpu.memory_space<vmem>>)
      tpu.yield
    }) : () -> ()
    "tpu.region"() ({
      %run_scoped3A = tpu.sem_alloc : memref<!tpu.dma_semaphore, #tpu.memory_space<semaphore_mem>>
      %dma_start3A = arith.constant 0 : i32
      %dma_start3A_16 = tpu.memref_slice %arg12[%dma_start3A] : memref<393xi32, #tpu.memory_space<vmem>> -> memref<377xi32, #tpu.memory_space<vmem>>
      %dma_start3A_17 = arith.constant 0 : i32
      %dma_start3A_18 = tpu.memref_slice %arg12[%dma_start3A_17] : memref<393xi32, #tpu.memory_space<vmem>> -> memref<377xi32, #tpu.memory_space<vmem>>
      tpu.enqueue_dma source(%arg6 : memref<377xi32, #tpu.memory_space<hbm>>) target(%dma_start3A_18 : memref<377xi32, #tpu.memory_space<vmem>>) target_semaphore(%run_scoped3A : memref<!tpu.dma_semaphore, #tpu.memory_space<semaphore_mem>>)
      %dma_wait3A = arith.constant 0 : i32
      %dma_wait3A_19 = tpu.memref_slice %arg12[%dma_wait3A] : memref<393xi32, #tpu.memory_space<vmem>> -> memref<377xi32, #tpu.memory_space<vmem>>
      %dma_wait3A_20 = arith.constant 0 : i32
      %dma_wait3A_21 = tpu.memref_slice %arg12[%dma_wait3A_20] : memref<393xi32, #tpu.memory_space<vmem>> -> memref<377xi32, #tpu.memory_space<vmem>>
      tpu.wait_dma2 semaphore(%run_scoped3A : memref<!tpu.dma_semaphore, #tpu.memory_space<semaphore_mem>>) src(%arg6 : memref<377xi32, #tpu.memory_space<hbm>>) dst(%dma_wait3A_21 : memref<377xi32, #tpu.memory_space<vmem>>)
      tpu.yield
    }) : () -> ()
    %iota3A = tpu.iota {dimensions = array<i32: 0>} : vector<16xi32>
    %sub3A = arith.constant 372 : i32
    %sub3A_1 = arith.subi %sub3A, %add3A : i32
    %sub3A_2 = arith.constant 32 : i32
    %sub3A_3 = arith.constant 1 : i32
    %sub3A_4 = arith.subi %sub3A_2, %sub3A_3 : i32
    %add3A_5 = arith.addi %sub3A_1, %sub3A_4 : i32
    %div3A = arith.constant 32 : i32
    %div3A_6 = arith.divsi %add3A_5, %div3A : i32
    %while3A = arith.constant 32 : i32
    %while3A_7 = arith.constant 0 : i32
    %while3A_8 = arith.subi %div3A_6, %while3A_7 : i32
    %while3A_9 = arith.addi %while3A_7, %while3A_8 : i32
    %while3A_10 = arith.constant 1 : i32
    %while3A_11 = arith.divsi %while3A_8, %while3A_10 : i32
    %while3A_12 = arith.muli %while3A_11, %while3A_10 : i32
    %while3A_13 = arith.addi %while3A_7, %while3A_12 : i32
    %while3A_14 = arith.constant 1 : i32
    scf.for %while3A_16 = %while3A_7 to %while3A_13 step %while3A_14  : i32 {
      %mul3A_17 = arith.muli %while3A_16, %while3A : i32
      %add3A_18 = arith.addi %add3A, %mul3A_17 : i32
      %mul3A_19 = arith.constant 2688 : i32
      %mul3A_20 = arith.muli %add3A_18, %mul3A_19 : i32
      "tpu.region"() ({
        %run_scoped3A = tpu.sem_alloc : memref<!tpu.dma_semaphore, #tpu.memory_space<semaphore_mem>>
        %dma_start3A = arith.constant 0 : i32
        %dma_start3A_65 = tpu.memref_slice %arg2[%dma_start3A, %mul3A_20] : memref<32x1000000xf32, #tpu.memory_space<hbm>> -> memref<32x2688xf32, #tpu.memory_space<hbm>>
        %dma_start3A_66 = arith.constant 0 : i32
        %dma_start3A_67 = tpu.memref_slice %arg2[%dma_start3A_66, %mul3A_20] : memref<32x1000000xf32, #tpu.memory_space<hbm>> -> memref<32x2688xf32, #tpu.memory_space<hbm>>
        tpu.enqueue_dma source(%dma_start3A_67 : memref<32x2688xf32, #tpu.memory_space<hbm>>) target(%arg8 : memref<32x2688xf32, #tpu.memory_space<vmem>>) target_semaphore(%run_scoped3A : memref<!tpu.dma_semaphore, #tpu.memory_space<semaphore_mem>>)
        %dma_wait3A = arith.constant 0 : i32
        %dma_wait3A_68 = tpu.memref_slice %arg2[%dma_wait3A, %mul3A_20] : memref<32x1000000xf32, #tpu.memory_space<hbm>> -> memref<32x2688xf32, #tpu.memory_space<hbm>>
        %dma_wait3A_69 = arith.constant 0 : i32
        %dma_wait3A_70 = tpu.memref_slice %arg2[%dma_wait3A_69, %mul3A_20] : memref<32x1000000xf32, #tpu.memory_space<hbm>> -> memref<32x2688xf32, #tpu.memory_space<hbm>>
        tpu.wait_dma2 semaphore(%run_scoped3A : memref<!tpu.dma_semaphore, #tpu.memory_space<semaphore_mem>>) src(%dma_wait3A_70 : memref<32x2688xf32, #tpu.memory_space<hbm>>) dst(%arg8 : memref<32x2688xf32, #tpu.memory_space<vmem>>)
        tpu.yield
      }) : () -> ()
      %add3A_21 = vector.broadcast %add3A_18 : i32 to vector<16xi32>
      %add3A_22 = arith.addi %add3A_21, %iota3A : vector<16xi32>
      %gather3A = tpu.vector_load_idx %arg12[%add3A_22] : memref<393xi32, #tpu.memory_space<vmem>>[vector<16xi32>], vector<16xi32>,
      %slice3A = vector.extract_strided_slice %gather3A {offsets = [0], sizes = [1], strides = [1]} : vector<16xi32> to vector<1xi32>
      %squeeze3A = vector.extract %slice3A[0] : i32 from vector<1xi32>
      %slice3A_23 = vector.extract_strided_slice %gather3A {offsets = [1], sizes = [1], strides = [1]} : vector<16xi32> to vector<1xi32>
      %squeeze3A_24 = vector.extract %slice3A_23[0] : i32 from vector<1xi32>
      %sub3A_25 = arith.subi %squeeze3A_24, %squeeze3A : i32
      %add3A_26 = arith.constant 55 : i32
      %add3A_27 = arith.addi %sub3A_25, %add3A_26 : i32
      %jit3A = arith.constant 56 : i32
      %div3A_28 = arith.divsi %add3A_27, %jit3A : i32
      %sign3A = arith.constant 0 : i32
      %sign3A_29 = arith.cmpi sgt, %add3A_27, %sign3A : i32
      %sign3A_30 = arith.extui %sign3A_29 : i1 to i32
      %sign3A_31 = arith.constant 0 : i32
      %sign3A_32 = arith.cmpi slt, %add3A_27, %sign3A_31 : i32
      %sign3A_33 = arith.extui %sign3A_32 : i1 to i32
      %sign3A_34 = arith.subi %sign3A_30, %sign3A_33 : i32
      %sign3A_35 = arith.constant 0 : i32
      %sign3A_36 = arith.cmpi sgt, %jit3A, %sign3A_35 : i32
      %sign3A_37 = arith.extui %sign3A_36 : i1 to i32
      %sign3A_38 = arith.constant 0 : i32
      %sign3A_39 = arith.cmpi slt, %jit3A, %sign3A_38 : i32
      %sign3A_40 = arith.extui %sign3A_39 : i1 to i32
      %sign3A_41 = arith.subi %sign3A_37, %sign3A_40 : i32
      %ne3A = arith.cmpi ne, %sign3A_34, %sign3A_41 : i32
      %rem3A = arith.remsi %add3A_27, %jit3A : i32
      %ne3A_42 = arith.constant 0 : i32
      %ne3A_43 = arith.cmpi ne, %rem3A, %ne3A_42 : i32
      %and3A = arith.andi %ne3A, %ne3A_43 : i1
      %sub3A_44 = arith.constant 1 : i32
      %sub3A_45 = arith.subi %div3A_28, %sub3A_44 : i32
      %select_n3A = arith.select %and3A, %sub3A_45, %div3A_28 : i32
      %sub3A_46 = arith.constant 0 : i32
      %sub3A_47 = arith.subi %select_n3A, %sub3A_46 : i32
      %sub3A_48 = arith.constant 1 : i32
      %sub3A_49 = arith.constant 1 : i32
      %sub3A_50 = arith.subi %sub3A_48, %sub3A_49 : i32
      %add3A_51 = arith.addi %sub3A_47, %sub3A_50 : i32
      %div3A_52 = arith.constant 1 : i32
      %div3A_53 = arith.divsi %add3A_51, %div3A_52 : i32
      %while3A_54 = arith.constant 1 : i32
      %while3A_55 = arith.constant 0 : i32
      %while3A_56 = arith.constant 0 : i32
      %while3A_57 = arith.subi %div3A_53, %while3A_56 : i32
      %while3A_58 = arith.addi %while3A_56, %while3A_57 : i32
      %while3A_59 = arith.constant 1 : i32
      %while3A_60 = arith.divsi %while3A_57, %while3A_59 : i32
      %while3A_61 = arith.muli %while3A_60, %while3A_59 : i32
      %while3A_62 = arith.addi %while3A_56, %while3A_61 : i32
      %while3A_63 = arith.constant 1 : i32
      scf.for %while3A_65 = %while3A_56 to %while3A_62 step %while3A_63  : i32 {
        %mul3A_66 = arith.muli %while3A_65, %while3A_54 : i32
        %add3A_67 = arith.addi %while3A_55, %mul3A_66 : i32
        %mul3A_68 = arith.constant 56 : i32
        %mul3A_69 = arith.muli %add3A_67, %mul3A_68 : i32
        %add3A_70 = arith.addi %squeeze3A, %mul3A_69 : i32
        %jit3A_71 = arith.constant 8 : i32
        %div3A_72 = arith.divsi %add3A_70, %jit3A_71 : i32
        %sign3A_73 = arith.constant 0 : i32
        %sign3A_74 = arith.cmpi sgt, %add3A_70, %sign3A_73 : i32
        %sign3A_75 = arith.extui %sign3A_74 : i1 to i32
        %sign3A_76 = arith.constant 0 : i32
        %sign3A_77 = arith.cmpi slt, %add3A_70, %sign3A_76 : i32
        %sign3A_78 = arith.extui %sign3A_77 : i1 to i32
        %sign3A_79 = arith.subi %sign3A_75, %sign3A_78 : i32
        %sign3A_80 = arith.constant 0 : i32
        %sign3A_81 = arith.cmpi sgt, %jit3A_71, %sign3A_80 : i32
        %sign3A_82 = arith.extui %sign3A_81 : i1 to i32
        %sign3A_83 = arith.constant 0 : i32
        %sign3A_84 = arith.cmpi slt, %jit3A_71, %sign3A_83 : i32
        %sign3A_85 = arith.extui %sign3A_84 : i1 to i32
        %sign3A_86 = arith.subi %sign3A_82, %sign3A_85 : i32
        %ne3A_87 = arith.cmpi ne, %sign3A_79, %sign3A_86 : i32
        %rem3A_88 = arith.remsi %add3A_70, %jit3A_71 : i32
        %ne3A_89 = arith.constant 0 : i32
        %ne3A_90 = arith.cmpi ne, %rem3A_88, %ne3A_89 : i32
        %and3A_91 = arith.andi %ne3A_87, %ne3A_90 : i1
        %sub3A_92 = arith.constant 1 : i32
        %sub3A_93 = arith.subi %div3A_72, %sub3A_92 : i32
        %select_n3A_94 = arith.select %and3A_91, %sub3A_93, %div3A_72 : i32
        %mul3A_95 = arith.constant 8 : i32
        %mul3A_96 = arith.muli %select_n3A_94, %mul3A_95 : i32
        %min3A = arith.constant 16320 : i32
        %min3A_97 = arith.minsi %mul3A_96, %min3A : i32
        "tpu.region"() ({
          %run_scoped3A = tpu.sem_alloc : memref<!tpu.dma_semaphore, #tpu.memory_space<semaphore_mem>>
          %dma_start3A = tpu.memref_slice %arg11[%min3A_97] : memref<16400xi32, #tpu.memory_space<vmem>> -> memref<64xi32, #tpu.memory_space<vmem>>
          %dma_start3A_120 = arith.constant 0 : i32
          %dma_start3A_121 = arith.constant 0 : i32
          %dma_start3A_122 = tpu.memref_slice %arg4[%dma_start3A_120, %dma_start3A_121] : memref<16384x128xf32, #tpu.memory_space<hbm>> -> memref<16384x128xf32, #tpu.memory_space<hbm>>
          tpu.enqueue_indirect_dma source(%dma_start3A_122 : memref<16384x128xf32, #tpu.memory_space<hbm>>) target(%arg10 : memref<64x128xf32, #tpu.memory_space<vmem>>) offsets(%dma_start3A : memref<64xi32, #tpu.memory_space<vmem>>) semaphore(%run_scoped3A : memref<!tpu.dma_semaphore, #tpu.memory_space<semaphore_mem>>)
          %dma_wait3A = tpu.memref_slice %arg11[%min3A_97] : memref<16400xi32, #tpu.memory_space<vmem>> -> memref<64xi32, #tpu.memory_space<vmem>>
          %dma_wait3A_123 = arith.constant 0 : i32
          %dma_wait3A_124 = arith.constant 0 : i32
          %dma_wait3A_125 = tpu.memref_slice %arg4[%dma_wait3A_123, %dma_wait3A_124] : memref<16384x128xf32, #tpu.memory_space<hbm>> -> memref<16384x128xf32, #tpu.memory_space<hbm>>
          tpu.wait_indirect_dma semaphore(%run_scoped3A : memref<!tpu.dma_semaphore, #tpu.memory_space<semaphore_mem>>) src(%dma_wait3A_125 : memref<16384x128xf32, #tpu.memory_space<hbm>>) dst(%arg10 : memref<64x128xf32, #tpu.memory_space<vmem>>)
          tpu.yield
        }) : () -> ()
        %sub3A_98 = arith.subi %squeeze3A_24, %add3A_70 : i32
        %min3A_99 = arith.constant 56 : i32
        %min3A_100 = arith.minsi %sub3A_98, %min3A_99 : i32
        %sub3A_101 = arith.constant 0 : i32
        %sub3A_102 = arith.subi %min3A_100, %sub3A_101 : i32
        %sub3A_103 = arith.constant 1 : i32
        %sub3A_104 = arith.constant 1 : i32
        %sub3A_105 = arith.subi %sub3A_103, %sub3A_104 : i32
        %add3A_106 = arith.addi %sub3A_102, %sub3A_105 : i32
        %div3A_107 = arith.constant 1 : i32
        %div3A_108 = arith.divsi %add3A_106, %div3A_107 : i32
        %while3A_109 = arith.constant 1 : i32
        %while3A_110 = arith.constant 0 : i32
        %while3A_111 = arith.constant 0 : i32
        %while3A_112 = arith.subi %div3A_108, %while3A_111 : i32
        %while3A_113 = arith.addi %while3A_111, %while3A_112 : i32
        %while3A_114 = arith.constant 1 : i32
        %while3A_115 = arith.divsi %while3A_112, %while3A_114 : i32
        %while3A_116 = arith.muli %while3A_115, %while3A_114 : i32
        %while3A_117 = arith.addi %while3A_111, %while3A_116 : i32
        %while3A_118 = arith.constant 1 : i32
        scf.for %while3A_120 = %while3A_111 to %while3A_117 step %while3A_118  : i32 {
          %mul3A_121 = arith.muli %while3A_120, %while3A_109 : i32
          %add3A_122 = arith.addi %while3A_110, %mul3A_121 : i32
          %add3A_123 = arith.addi %add3A_70, %add3A_122 : i32
          %sub3A_124 = arith.subi %add3A_123, %min3A_97 : i32
          %broadcast_in_dim3A = vector.broadcast %sub3A_124 : i32 to vector<16xi32>
          %broadcast_in_dim3A_125 = vector.broadcast %add3A_123 : i32 to vector<16xi32>
          %gather3A_126 = tpu.vector_load_idx %arg9[%broadcast_in_dim3A_125] : memref<16400xi32, #tpu.memory_space<vmem>>[vector<16xi32>], vector<16xi32>,
          %sub3A_127 = vector.broadcast %mul3A_20 : i32 to vector<16xi32>
          %sub3A_128 = arith.subi %gather3A_126, %sub3A_127 : vector<16xi32>
          %gather3A_129 = tpu.vector_load_idx %arg10[%broadcast_in_dim3A, %iota3A] : memref<64x128xf32, #tpu.memory_space<vmem>>[vector<16xi32>, vector<16xi32>], vector<16xf32>,
          %add3A_130 = arith.constant 16 : i32
          %add3A_131 = vector.broadcast %add3A_130 : i32 to vector<16xi32>
          %add3A_132 = arith.addi %iota3A, %add3A_131 : vector<16xi32>
          %gather3A_133 = tpu.vector_load_idx %arg10[%broadcast_in_dim3A, %add3A_132] : memref<64x128xf32, #tpu.memory_space<vmem>>[vector<16xi32>, vector<16xi32>], vector<16xf32>,
          tpu.vector_store_idx %arg8[%iota3A, %sub3A_128], %gather3A_129 {add = true} : memref<32x2688xf32, #tpu.memory_space<vmem>>[vector<16xi32>, vector<16xi32>], vector<16xf32>,
          %add3A_134 = arith.constant 16 : i32
          %add3A_135 = vector.broadcast %add3A_134 : i32 to vector<16xi32>
          %add3A_136 = arith.addi %iota3A, %add3A_135 : vector<16xi32>
          tpu.vector_store_idx %arg8[%add3A_136, %sub3A_128], %gather3A_133 {add = true} : memref<32x2688xf32, #tpu.memory_space<vmem>>[vector<16xi32>, vector<16xi32>], vector<16xf32>,
        }
        %while3A_119 = arith.constant 1 : i32
        scf.for %while3A_120 = %while3A_117 to %while3A_113 step %while3A_119  : i32 {
          %mul3A_121 = arith.muli %while3A_120, %while3A_109 : i32
          %add3A_122 = arith.addi %while3A_110, %mul3A_121 : i32
          %add3A_123 = arith.addi %add3A_70, %add3A_122 : i32
          %sub3A_124 = arith.subi %add3A_123, %min3A_97 : i32
          %broadcast_in_dim3A = vector.broadcast %sub3A_124 : i32 to vector<16xi32>
          %broadcast_in_dim3A_125 = vector.broadcast %add3A_123 : i32 to vector<16xi32>
          %gather3A_126 = tpu.vector_load_idx %arg9[%broadcast_in_dim3A_125] : memref<16400xi32, #tpu.memory_space<vmem>>[vector<16xi32>], vector<16xi32>,
          %sub3A_127 = vector.broadcast %mul3A_20 : i32 to vector<16xi32>
          %sub3A_128 = arith.subi %gather3A_126, %sub3A_127 : vector<16xi32>
          %gather3A_129 = tpu.vector_load_idx %arg10[%broadcast_in_dim3A, %iota3A] : memref<64x128xf32, #tpu.memory_space<vmem>>[vector<16xi32>, vector<16xi32>], vector<16xf32>,
          %add3A_130 = arith.constant 16 : i32
          %add3A_131 = vector.broadcast %add3A_130 : i32 to vector<16xi32>
          %add3A_132 = arith.addi %iota3A, %add3A_131 : vector<16xi32>
          %gather3A_133 = tpu.vector_load_idx %arg10[%broadcast_in_dim3A, %add3A_132] : memref<64x128xf32, #tpu.memory_space<vmem>>[vector<16xi32>, vector<16xi32>], vector<16xf32>,
          tpu.vector_store_idx %arg8[%iota3A, %sub3A_128], %gather3A_129 {add = true} : memref<32x2688xf32, #tpu.memory_space<vmem>>[vector<16xi32>, vector<16xi32>], vector<16xf32>,
          %add3A_134 = arith.constant 16 : i32
          %add3A_135 = vector.broadcast %add3A_134 : i32 to vector<16xi32>
          %add3A_136 = arith.addi %iota3A, %add3A_135 : vector<16xi32>
          tpu.vector_store_idx %arg8[%add3A_136, %sub3A_128], %gather3A_133 {add = true} : memref<32x2688xf32, #tpu.memory_space<vmem>>[vector<16xi32>, vector<16xi32>], vector<16xf32>,
        }
      }
      %while3A_64 = arith.constant 1 : i32
      scf.for %while3A_65 = %while3A_62 to %while3A_58 step %while3A_64  : i32 {
        %mul3A_66 = arith.muli %while3A_65, %while3A_54 : i32
        %add3A_67 = arith.addi %while3A_55, %mul3A_66 : i32
        %mul3A_68 = arith.constant 56 : i32
        %mul3A_69 = arith.muli %add3A_67, %mul3A_68 : i32
        %add3A_70 = arith.addi %squeeze3A, %mul3A_69 : i32
        %jit3A_71 = arith.constant 8 : i32
        %div3A_72 = arith.divsi %add3A_70, %jit3A_71 : i32
        %sign3A_73 = arith.constant 0 : i32
        %sign3A_74 = arith.cmpi sgt, %add3A_70, %sign3A_73 : i32
        %sign3A_75 = arith.extui %sign3A_74 : i1 to i32
        %sign3A_76 = arith.constant 0 : i32
        %sign3A_77 = arith.cmpi slt, %add3A_70, %sign3A_76 : i32
        %sign3A_78 = arith.extui %sign3A_77 : i1 to i32
        %sign3A_79 = arith.subi %sign3A_75, %sign3A_78 : i32
        %sign3A_80 = arith.constant 0 : i32
        %sign3A_81 = arith.cmpi sgt, %jit3A_71, %sign3A_80 : i32
        %sign3A_82 = arith.extui %sign3A_81 : i1 to i32
        %sign3A_83 = arith.constant 0 : i32
        %sign3A_84 = arith.cmpi slt, %jit3A_71, %sign3A_83 : i32
        %sign3A_85 = arith.extui %sign3A_84 : i1 to i32
        %sign3A_86 = arith.subi %sign3A_82, %sign3A_85 : i32
        %ne3A_87 = arith.cmpi ne, %sign3A_79, %sign3A_86 : i32
        %rem3A_88 = arith.remsi %add3A_70, %jit3A_71 : i32
        %ne3A_89 = arith.constant 0 : i32
        %ne3A_90 = arith.cmpi ne, %rem3A_88, %ne3A_89 : i32
        %and3A_91 = arith.andi %ne3A_87, %ne3A_90 : i1
        %sub3A_92 = arith.constant 1 : i32
        %sub3A_93 = arith.subi %div3A_72, %sub3A_92 : i32
        %select_n3A_94 = arith.select %and3A_91, %sub3A_93, %div3A_72 : i32
        %mul3A_95 = arith.constant 8 : i32
        %mul3A_96 = arith.muli %select_n3A_94, %mul3A_95 : i32
        %min3A = arith.constant 16320 : i32
        %min3A_97 = arith.minsi %mul3A_96, %min3A : i32
        "tpu.region"() ({
          %run_scoped3A = tpu.sem_alloc : memref<!tpu.dma_semaphore, #tpu.memory_space<semaphore_mem>>
          %dma_start3A = tpu.memref_slice %arg11[%min3A_97] : memref<16400xi32, #tpu.memory_space<vmem>> -> memref<64xi32, #tpu.memory_space<vmem>>
          %dma_start3A_120 = arith.constant 0 : i32
          %dma_start3A_121 = arith.constant 0 : i32
          %dma_start3A_122 = tpu.memref_slice %arg4[%dma_start3A_120, %dma_start3A_121] : memref<16384x128xf32, #tpu.memory_space<hbm>> -> memref<16384x128xf32, #tpu.memory_space<hbm>>
          tpu.enqueue_indirect_dma source(%dma_start3A_122 : memref<16384x128xf32, #tpu.memory_space<hbm>>) target(%arg10 : memref<64x128xf32, #tpu.memory_space<vmem>>) offsets(%dma_start3A : memref<64xi32, #tpu.memory_space<vmem>>) semaphore(%run_scoped3A : memref<!tpu.dma_semaphore, #tpu.memory_space<semaphore_mem>>)
          %dma_wait3A = tpu.memref_slice %arg11[%min3A_97] : memref<16400xi32, #tpu.memory_space<vmem>> -> memref<64xi32, #tpu.memory_space<vmem>>
          %dma_wait3A_123 = arith.constant 0 : i32
          %dma_wait3A_124 = arith.constant 0 : i32
          %dma_wait3A_125 = tpu.memref_slice %arg4[%dma_wait3A_123, %dma_wait3A_124] : memref<16384x128xf32, #tpu.memory_space<hbm>> -> memref<16384x128xf32, #tpu.memory_space<hbm>>
          tpu.wait_indirect_dma semaphore(%run_scoped3A : memref<!tpu.dma_semaphore, #tpu.memory_space<semaphore_mem>>) src(%dma_wait3A_125 : memref<16384x128xf32, #tpu.memory_space<hbm>>) dst(%arg10 : memref<64x128xf32, #tpu.memory_space<vmem>>)
          tpu.yield
        }) : () -> ()
        %sub3A_98 = arith.subi %squeeze3A_24, %add3A_70 : i32
        %min3A_99 = arith.constant 56 : i32
        %min3A_100 = arith.minsi %sub3A_98, %min3A_99 : i32
        %sub3A_101 = arith.constant 0 : i32
        %sub3A_102 = arith.subi %min3A_100, %sub3A_101 : i32
        %sub3A_103 = arith.constant 1 : i32
        %sub3A_104 = arith.constant 1 : i32
        %sub3A_105 = arith.subi %sub3A_103, %sub3A_104 : i32
        %add3A_106 = arith.addi %sub3A_102, %sub3A_105 : i32
        %div3A_107 = arith.constant 1 : i32
        %div3A_108 = arith.divsi %add3A_106, %div3A_107 : i32
        %while3A_109 = arith.constant 1 : i32
        %while3A_110 = arith.constant 0 : i32
        %while3A_111 = arith.constant 0 : i32
        %while3A_112 = arith.subi %div3A_108, %while3A_111 : i32
        %while3A_113 = arith.addi %while3A_111, %while3A_112 : i32
        %while3A_114 = arith.constant 1 : i32
        %while3A_115 = arith.divsi %while3A_112, %while3A_114 : i32
        %while3A_116 = arith.muli %while3A_115, %while3A_114 : i32
        %while3A_117 = arith.addi %while3A_111, %while3A_116 : i32
        %while3A_118 = arith.constant 1 : i32
        scf.for %while3A_120 = %while3A_111 to %while3A_117 step %while3A_118  : i32 {
          %mul3A_121 = arith.muli %while3A_120, %while3A_109 : i32
          %add3A_122 = arith.addi %while3A_110, %mul3A_121 : i32
          %add3A_123 = arith.addi %add3A_70, %add3A_122 : i32
          %sub3A_124 = arith.subi %add3A_123, %min3A_97 : i32
          %broadcast_in_dim3A = vector.broadcast %sub3A_124 : i32 to vector<16xi32>
          %broadcast_in_dim3A_125 = vector.broadcast %add3A_123 : i32 to vector<16xi32>
          %gather3A_126 = tpu.vector_load_idx %arg9[%broadcast_in_dim3A_125] : memref<16400xi32, #tpu.memory_space<vmem>>[vector<16xi32>], vector<16xi32>,
          %sub3A_127 = vector.broadcast %mul3A_20 : i32 to vector<16xi32>
          %sub3A_128 = arith.subi %gather3A_126, %sub3A_127 : vector<16xi32>
          %gather3A_129 = tpu.vector_load_idx %arg10[%broadcast_in_dim3A, %iota3A] : memref<64x128xf32, #tpu.memory_space<vmem>>[vector<16xi32>, vector<16xi32>], vector<16xf32>,
          %add3A_130 = arith.constant 16 : i32
          %add3A_131 = vector.broadcast %add3A_130 : i32 to vector<16xi32>
          %add3A_132 = arith.addi %iota3A, %add3A_131 : vector<16xi32>
          %gather3A_133 = tpu.vector_load_idx %arg10[%broadcast_in_dim3A, %add3A_132] : memref<64x128xf32, #tpu.memory_space<vmem>>[vector<16xi32>, vector<16xi32>], vector<16xf32>,
          tpu.vector_store_idx %arg8[%iota3A, %sub3A_128], %gather3A_129 {add = true} : memref<32x2688xf32, #tpu.memory_space<vmem>>[vector<16xi32>, vector<16xi32>], vector<16xf32>,
          %add3A_134 = arith.constant 16 : i32
          %add3A_135 = vector.broadcast %add3A_134 : i32 to vector<16xi32>
          %add3A_136 = arith.addi %iota3A, %add3A_135 : vector<16xi32>
          tpu.vector_store_idx %arg8[%add3A_136, %sub3A_128], %gather3A_133 {add = true} : memref<32x2688xf32, #tpu.memory_space<vmem>>[vector<16xi32>, vector<16xi32>], vector<16xf32>,
        }
        %while3A_119 = arith.constant 1 : i32
        scf.for %while3A_120 = %while3A_117 to %while3A_113 step %while3A_119  : i32 {
          %mul3A_121 = arith.muli %while3A_120, %while3A_109 : i32
          %add3A_122 = arith.addi %while3A_110, %mul3A_121 : i32
          %add3A_123 = arith.addi %add3A_70, %add3A_122 : i32
          %sub3A_124 = arith.subi %add3A_123, %min3A_97 : i32
          %broadcast_in_dim3A = vector.broadcast %sub3A_124 : i32 to vector<16xi32>
          %broadcast_in_dim3A_125 = vector.broadcast %add3A_123 : i32 to vector<16xi32>
          %gather3A_126 = tpu.vector_load_idx %arg9[%broadcast_in_dim3A_125] : memref<16400xi32, #tpu.memory_space<vmem>>[vector<16xi32>], vector<16xi32>,
          %sub3A_127 = vector.broadcast %mul3A_20 : i32 to vector<16xi32>
          %sub3A_128 = arith.subi %gather3A_126, %sub3A_127 : vector<16xi32>
          %gather3A_129 = tpu.vector_load_idx %arg10[%broadcast_in_dim3A, %iota3A] : memref<64x128xf32, #tpu.memory_space<vmem>>[vector<16xi32>, vector<16xi32>], vector<16xf32>,
          %add3A_130 = arith.constant 16 : i32
          %add3A_131 = vector.broadcast %add3A_130 : i32 to vector<16xi32>
          %add3A_132 = arith.addi %iota3A, %add3A_131 : vector<16xi32>
          %gather3A_133 = tpu.vector_load_idx %arg10[%broadcast_in_dim3A, %add3A_132] : memref<64x128xf32, #tpu.memory_space<vmem>>[vector<16xi32>, vector<16xi32>], vector<16xf32>,
          tpu.vector_store_idx %arg8[%iota3A, %sub3A_128], %gather3A_129 {add = true} : memref<32x2688xf32, #tpu.memory_space<vmem>>[vector<16xi32>, vector<16xi32>], vector<16xf32>,
          %add3A_134 = arith.constant 16 : i32
          %add3A_135 = vector.broadcast %add3A_134 : i32 to vector<16xi32>
          %add3A_136 = arith.addi %iota3A, %add3A_135 : vector<16xi32>
          tpu.vector_store_idx %arg8[%add3A_136, %sub3A_128], %gather3A_133 {add = true} : memref<32x2688xf32, #tpu.memory_space<vmem>>[vector<16xi32>, vector<16xi32>], vector<16xf32>,
        }
      }
      "tpu.region"() ({
        %run_scoped3A = tpu.sem_alloc : memref<!tpu.dma_semaphore, #tpu.memory_space<semaphore_mem>>
        %dma_start3A = arith.constant 0 : i32
        %dma_start3A_65 = tpu.memref_slice %arg7[%dma_start3A, %mul3A_20] : memref<32x1000000xf32, #tpu.memory_space<hbm>> -> memref<32x2688xf32, #tpu.memory_space<hbm>>
        %dma_start3A_66 = arith.constant 0 : i32
        %dma_start3A_67 = tpu.memref_slice %arg7[%dma_start3A_66, %mul3A_20] : memref<32x1000000xf32, #tpu.memory_space<hbm>> -> memref<32x2688xf32, #tpu.memory_space<hbm>>
        tpu.enqueue_dma source(%arg8 : memref<32x2688xf32, #tpu.memory_space<vmem>>) target(%dma_start3A_67 : memref<32x2688xf32, #tpu.memory_space<hbm>>) target_semaphore(%run_scoped3A : memref<!tpu.dma_semaphore, #tpu.memory_space<semaphore_mem>>)
        %dma_wait3A = arith.constant 0 : i32
        %dma_wait3A_68 = tpu.memref_slice %arg7[%dma_wait3A, %mul3A_20] : memref<32x1000000xf32, #tpu.memory_space<hbm>> -> memref<32x2688xf32, #tpu.memory_space<hbm>>
        %dma_wait3A_69 = arith.constant 0 : i32
        %dma_wait3A_70 = tpu.memref_slice %arg7[%dma_wait3A_69, %mul3A_20] : memref<32x1000000xf32, #tpu.memory_space<hbm>> -> memref<32x2688xf32, #tpu.memory_space<hbm>>
        tpu.wait_dma2 semaphore(%run_scoped3A : memref<!tpu.dma_semaphore, #tpu.memory_space<semaphore_mem>>) src(%arg8 : memref<32x2688xf32, #tpu.memory_space<vmem>>) dst(%dma_wait3A_70 : memref<32x2688xf32, #tpu.memory_space<hbm>>)
        tpu.yield
      }) : () -> ()
    }
    %while3A_15 = arith.constant 1 : i32
    scf.for %while3A_16 = %while3A_13 to %while3A_9 step %while3A_15  : i32 {
      %mul3A_17 = arith.muli %while3A_16, %while3A : i32
      %add3A_18 = arith.addi %add3A, %mul3A_17 : i32
      %mul3A_19 = arith.constant 2688 : i32
      %mul3A_20 = arith.muli %add3A_18, %mul3A_19 : i32
      "tpu.region"() ({
        %run_scoped3A = tpu.sem_alloc : memref<!tpu.dma_semaphore, #tpu.memory_space<semaphore_mem>>
        %dma_start3A = arith.constant 0 : i32
        %dma_start3A_65 = tpu.memref_slice %arg2[%dma_start3A, %mul3A_20] : memref<32x1000000xf32, #tpu.memory_space<hbm>> -> memref<32x2688xf32, #tpu.memory_space<hbm>>
        %dma_start3A_66 = arith.constant 0 : i32
        %dma_start3A_67 = tpu.memref_slice %arg2[%dma_start3A_66, %mul3A_20] : memref<32x1000000xf32, #tpu.memory_space<hbm>> -> memref<32x2688xf32, #tpu.memory_space<hbm>>
        tpu.enqueue_dma source(%dma_start3A_67 : memref<32x2688xf32, #tpu.memory_space<hbm>>) target(%arg8 : memref<32x2688xf32, #tpu.memory_space<vmem>>) target_semaphore(%run_scoped3A : memref<!tpu.dma_semaphore, #tpu.memory_space<semaphore_mem>>)
        %dma_wait3A = arith.constant 0 : i32
        %dma_wait3A_68 = tpu.memref_slice %arg2[%dma_wait3A, %mul3A_20] : memref<32x1000000xf32, #tpu.memory_space<hbm>> -> memref<32x2688xf32, #tpu.memory_space<hbm>>
        %dma_wait3A_69 = arith.constant 0 : i32
        %dma_wait3A_70 = tpu.memref_slice %arg2[%dma_wait3A_69, %mul3A_20] : memref<32x1000000xf32, #tpu.memory_space<hbm>> -> memref<32x2688xf32, #tpu.memory_space<hbm>>
        tpu.wait_dma2 semaphore(%run_scoped3A : memref<!tpu.dma_semaphore, #tpu.memory_space<semaphore_mem>>) src(%dma_wait3A_70 : memref<32x2688xf32, #tpu.memory_space<hbm>>) dst(%arg8 : memref<32x2688xf32, #tpu.memory_space<vmem>>)
        tpu.yield
      }) : () -> ()
      %add3A_21 = vector.broadcast %add3A_18 : i32 to vector<16xi32>
      %add3A_22 = arith.addi %add3A_21, %iota3A : vector<16xi32>
      %gather3A = tpu.vector_load_idx %arg12[%add3A_22] : memref<393xi32, #tpu.memory_space<vmem>>[vector<16xi32>], vector<16xi32>,
      %slice3A = vector.extract_strided_slice %gather3A {offsets = [0], sizes = [1], strides = [1]} : vector<16xi32> to vector<1xi32>
      %squeeze3A = vector.extract %slice3A[0] : i32 from vector<1xi32>
      %slice3A_23 = vector.extract_strided_slice %gather3A {offsets = [1], sizes = [1], strides = [1]} : vector<16xi32> to vector<1xi32>
      %squeeze3A_24 = vector.extract %slice3A_23[0] : i32 from vector<1xi32>
      %sub3A_25 = arith.subi %squeeze3A_24, %squeeze3A : i32
      %add3A_26 = arith.constant 55 : i32
      %add3A_27 = arith.addi %sub3A_25, %add3A_26 : i32
      %jit3A = arith.constant 56 : i32
      %div3A_28 = arith.divsi %add3A_27, %jit3A : i32
      %sign3A = arith.constant 0 : i32
      %sign3A_29 = arith.cmpi sgt, %add3A_27, %sign3A : i32
      %sign3A_30 = arith.extui %sign3A_29 : i1 to i32
      %sign3A_31 = arith.constant 0 : i32
      %sign3A_32 = arith.cmpi slt, %add3A_27, %sign3A_31 : i32
      %sign3A_33 = arith.extui %sign3A_32 : i1 to i32
      %sign3A_34 = arith.subi %sign3A_30, %sign3A_33 : i32
      %sign3A_35 = arith.constant 0 : i32
      %sign3A_36 = arith.cmpi sgt, %jit3A, %sign3A_35 : i32
      %sign3A_37 = arith.extui %sign3A_36 : i1 to i32
      %sign3A_38 = arith.constant 0 : i32
      %sign3A_39 = arith.cmpi slt, %jit3A, %sign3A_38 : i32
      %sign3A_40 = arith.extui %sign3A_39 : i1 to i32
      %sign3A_41 = arith.subi %sign3A_37, %sign3A_40 : i32
      %ne3A = arith.cmpi ne, %sign3A_34, %sign3A_41 : i32
      %rem3A = arith.remsi %add3A_27, %jit3A : i32
      %ne3A_42 = arith.constant 0 : i32
      %ne3A_43 = arith.cmpi ne, %rem3A, %ne3A_42 : i32
      %and3A = arith.andi %ne3A, %ne3A_43 : i1
      %sub3A_44 = arith.constant 1 : i32
      %sub3A_45 = arith.subi %div3A_28, %sub3A_44 : i32
      %select_n3A = arith.select %and3A, %sub3A_45, %div3A_28 : i32
      %sub3A_46 = arith.constant 0 : i32
      %sub3A_47 = arith.subi %select_n3A, %sub3A_46 : i32
      %sub3A_48 = arith.constant 1 : i32
      %sub3A_49 = arith.constant 1 : i32
      %sub3A_50 = arith.subi %sub3A_48, %sub3A_49 : i32
      %add3A_51 = arith.addi %sub3A_47, %sub3A_50 : i32
      %div3A_52 = arith.constant 1 : i32
      %div3A_53 = arith.divsi %add3A_51, %div3A_52 : i32
      %while3A_54 = arith.constant 1 : i32
      %while3A_55 = arith.constant 0 : i32
      %while3A_56 = arith.constant 0 : i32
      %while3A_57 = arith.subi %div3A_53, %while3A_56 : i32
      %while3A_58 = arith.addi %while3A_56, %while3A_57 : i32
      %while3A_59 = arith.constant 1 : i32
      %while3A_60 = arith.divsi %while3A_57, %while3A_59 : i32
      %while3A_61 = arith.muli %while3A_60, %while3A_59 : i32
      %while3A_62 = arith.addi %while3A_56, %while3A_61 : i32
      %while3A_63 = arith.constant 1 : i32
      scf.for %while3A_65 = %while3A_56 to %while3A_62 step %while3A_63  : i32 {
        %mul3A_66 = arith.muli %while3A_65, %while3A_54 : i32
        %add3A_67 = arith.addi %while3A_55, %mul3A_66 : i32
        %mul3A_68 = arith.constant 56 : i32
        %mul3A_69 = arith.muli %add3A_67, %mul3A_68 : i32
        %add3A_70 = arith.addi %squeeze3A, %mul3A_69 : i32
        %jit3A_71 = arith.constant 8 : i32
        %div3A_72 = arith.divsi %add3A_70, %jit3A_71 : i32
        %sign3A_73 = arith.constant 0 : i32
        %sign3A_74 = arith.cmpi sgt, %add3A_70, %sign3A_73 : i32
        %sign3A_75 = arith.extui %sign3A_74 : i1 to i32
        %sign3A_76 = arith.constant 0 : i32
        %sign3A_77 = arith.cmpi slt, %add3A_70, %sign3A_76 : i32
        %sign3A_78 = arith.extui %sign3A_77 : i1 to i32
        %sign3A_79 = arith.subi %sign3A_75, %sign3A_78 : i32
        %sign3A_80 = arith.constant 0 : i32
        %sign3A_81 = arith.cmpi sgt, %jit3A_71, %sign3A_80 : i32
        %sign3A_82 = arith.extui %sign3A_81 : i1 to i32
        %sign3A_83 = arith.constant 0 : i32
        %sign3A_84 = arith.cmpi slt, %jit3A_71, %sign3A_83 : i32
        %sign3A_85 = arith.extui %sign3A_84 : i1 to i32
        %sign3A_86 = arith.subi %sign3A_82, %sign3A_85 : i32
        %ne3A_87 = arith.cmpi ne, %sign3A_79, %sign3A_86 : i32
        %rem3A_88 = arith.remsi %add3A_70, %jit3A_71 : i32
        %ne3A_89 = arith.constant 0 : i32
        %ne3A_90 = arith.cmpi ne, %rem3A_88, %ne3A_89 : i32
        %and3A_91 = arith.andi %ne3A_87, %ne3A_90 : i1
        %sub3A_92 = arith.constant 1 : i32
        %sub3A_93 = arith.subi %div3A_72, %sub3A_92 : i32
        %select_n3A_94 = arith.select %and3A_91, %sub3A_93, %div3A_72 : i32
        %mul3A_95 = arith.constant 8 : i32
        %mul3A_96 = arith.muli %select_n3A_94, %mul3A_95 : i32
        %min3A = arith.constant 16320 : i32
        %min3A_97 = arith.minsi %mul3A_96, %min3A : i32
        "tpu.region"() ({
          %run_scoped3A = tpu.sem_alloc : memref<!tpu.dma_semaphore, #tpu.memory_space<semaphore_mem>>
          %dma_start3A = tpu.memref_slice %arg11[%min3A_97] : memref<16400xi32, #tpu.memory_space<vmem>> -> memref<64xi32, #tpu.memory_space<vmem>>
          %dma_start3A_120 = arith.constant 0 : i32
          %dma_start3A_121 = arith.constant 0 : i32
          %dma_start3A_122 = tpu.memref_slice %arg4[%dma_start3A_120, %dma_start3A_121] : memref<16384x128xf32, #tpu.memory_space<hbm>> -> memref<16384x128xf32, #tpu.memory_space<hbm>>
          tpu.enqueue_indirect_dma source(%dma_start3A_122 : memref<16384x128xf32, #tpu.memory_space<hbm>>) target(%arg10 : memref<64x128xf32, #tpu.memory_space<vmem>>) offsets(%dma_start3A : memref<64xi32, #tpu.memory_space<vmem>>) semaphore(%run_scoped3A : memref<!tpu.dma_semaphore, #tpu.memory_space<semaphore_mem>>)
          %dma_wait3A = tpu.memref_slice %arg11[%min3A_97] : memref<16400xi32, #tpu.memory_space<vmem>> -> memref<64xi32, #tpu.memory_space<vmem>>
          %dma_wait3A_123 = arith.constant 0 : i32
          %dma_wait3A_124 = arith.constant 0 : i32
          %dma_wait3A_125 = tpu.memref_slice %arg4[%dma_wait3A_123, %dma_wait3A_124] : memref<16384x128xf32, #tpu.memory_space<hbm>> -> memref<16384x128xf32, #tpu.memory_space<hbm>>
          tpu.wait_indirect_dma semaphore(%run_scoped3A : memref<!tpu.dma_semaphore, #tpu.memory_space<semaphore_mem>>) src(%dma_wait3A_125 : memref<16384x128xf32, #tpu.memory_space<hbm>>) dst(%arg10 : memref<64x128xf32, #tpu.memory_space<vmem>>)
          tpu.yield
        }) : () -> ()
        %sub3A_98 = arith.subi %squeeze3A_24, %add3A_70 : i32
        %min3A_99 = arith.constant 56 : i32
        %min3A_100 = arith.minsi %sub3A_98, %min3A_99 : i32
        %sub3A_101 = arith.constant 0 : i32
        %sub3A_102 = arith.subi %min3A_100, %sub3A_101 : i32
        %sub3A_103 = arith.constant 1 : i32
        %sub3A_104 = arith.constant 1 : i32
        %sub3A_105 = arith.subi %sub3A_103, %sub3A_104 : i32
        %add3A_106 = arith.addi %sub3A_102, %sub3A_105 : i32
        %div3A_107 = arith.constant 1 : i32
        %div3A_108 = arith.divsi %add3A_106, %div3A_107 : i32
        %while3A_109 = arith.constant 1 : i32
        %while3A_110 = arith.constant 0 : i32
        %while3A_111 = arith.constant 0 : i32
        %while3A_112 = arith.subi %div3A_108, %while3A_111 : i32
        %while3A_113 = arith.addi %while3A_111, %while3A_112 : i32
        %while3A_114 = arith.constant 1 : i32
        %while3A_115 = arith.divsi %while3A_112, %while3A_114 : i32
        %while3A_116 = arith.muli %while3A_115, %while3A_114 : i32
        %while3A_117 = arith.addi %while3A_111, %while3A_116 : i32
        %while3A_118 = arith.constant 1 : i32
        scf.for %while3A_120 = %while3A_111 to %while3A_117 step %while3A_118  : i32 {
          %mul3A_121 = arith.muli %while3A_120, %while3A_109 : i32
          %add3A_122 = arith.addi %while3A_110, %mul3A_121 : i32
          %add3A_123 = arith.addi %add3A_70, %add3A_122 : i32
          %sub3A_124 = arith.subi %add3A_123, %min3A_97 : i32
          %broadcast_in_dim3A = vector.broadcast %sub3A_124 : i32 to vector<16xi32>
          %broadcast_in_dim3A_125 = vector.broadcast %add3A_123 : i32 to vector<16xi32>
          %gather3A_126 = tpu.vector_load_idx %arg9[%broadcast_in_dim3A_125] : memref<16400xi32, #tpu.memory_space<vmem>>[vector<16xi32>], vector<16xi32>,
          %sub3A_127 = vector.broadcast %mul3A_20 : i32 to vector<16xi32>
          %sub3A_128 = arith.subi %gather3A_126, %sub3A_127 : vector<16xi32>
          %gather3A_129 = tpu.vector_load_idx %arg10[%broadcast_in_dim3A, %iota3A] : memref<64x128xf32, #tpu.memory_space<vmem>>[vector<16xi32>, vector<16xi32>], vector<16xf32>,
          %add3A_130 = arith.constant 16 : i32
          %add3A_131 = vector.broadcast %add3A_130 : i32 to vector<16xi32>
          %add3A_132 = arith.addi %iota3A, %add3A_131 : vector<16xi32>
          %gather3A_133 = tpu.vector_load_idx %arg10[%broadcast_in_dim3A, %add3A_132] : memref<64x128xf32, #tpu.memory_space<vmem>>[vector<16xi32>, vector<16xi32>], vector<16xf32>,
          tpu.vector_store_idx %arg8[%iota3A, %sub3A_128], %gather3A_129 {add = true} : memref<32x2688xf32, #tpu.memory_space<vmem>>[vector<16xi32>, vector<16xi32>], vector<16xf32>,
          %add3A_134 = arith.constant 16 : i32
          %add3A_135 = vector.broadcast %add3A_134 : i32 to vector<16xi32>
          %add3A_136 = arith.addi %iota3A, %add3A_135 : vector<16xi32>
          tpu.vector_store_idx %arg8[%add3A_136, %sub3A_128], %gather3A_133 {add = true} : memref<32x2688xf32, #tpu.memory_space<vmem>>[vector<16xi32>, vector<16xi32>], vector<16xf32>,
        }
        %while3A_119 = arith.constant 1 : i32
        scf.for %while3A_120 = %while3A_117 to %while3A_113 step %while3A_119  : i32 {
          %mul3A_121 = arith.muli %while3A_120, %while3A_109 : i32
          %add3A_122 = arith.addi %while3A_110, %mul3A_121 : i32
          %add3A_123 = arith.addi %add3A_70, %add3A_122 : i32
          %sub3A_124 = arith.subi %add3A_123, %min3A_97 : i32
          %broadcast_in_dim3A = vector.broadcast %sub3A_124 : i32 to vector<16xi32>
          %broadcast_in_dim3A_125 = vector.broadcast %add3A_123 : i32 to vector<16xi32>
          %gather3A_126 = tpu.vector_load_idx %arg9[%broadcast_in_dim3A_125] : memref<16400xi32, #tpu.memory_space<vmem>>[vector<16xi32>], vector<16xi32>,
          %sub3A_127 = vector.broadcast %mul3A_20 : i32 to vector<16xi32>
          %sub3A_128 = arith.subi %gather3A_126, %sub3A_127 : vector<16xi32>
          %gather3A_129 = tpu.vector_load_idx %arg10[%broadcast_in_dim3A, %iota3A] : memref<64x128xf32, #tpu.memory_space<vmem>>[vector<16xi32>, vector<16xi32>], vector<16xf32>,
          %add3A_130 = arith.constant 16 : i32
          %add3A_131 = vector.broadcast %add3A_130 : i32 to vector<16xi32>
          %add3A_132 = arith.addi %iota3A, %add3A_131 : vector<16xi32>
          %gather3A_133 = tpu.vector_load_idx %arg10[%broadcast_in_dim3A, %add3A_132] : memref<64x128xf32, #tpu.memory_space<vmem>>[vector<16xi32>, vector<16xi32>], vector<16xf32>,
          tpu.vector_store_idx %arg8[%iota3A, %sub3A_128], %gather3A_129 {add = true} : memref<32x2688xf32, #tpu.memory_space<vmem>>[vector<16xi32>, vector<16xi32>], vector<16xf32>,
          %add3A_134 = arith.constant 16 : i32
          %add3A_135 = vector.broadcast %add3A_134 : i32 to vector<16xi32>
          %add3A_136 = arith.addi %iota3A, %add3A_135 : vector<16xi32>
          tpu.vector_store_idx %arg8[%add3A_136, %sub3A_128], %gather3A_133 {add = true} : memref<32x2688xf32, #tpu.memory_space<vmem>>[vector<16xi32>, vector<16xi32>], vector<16xf32>,
        }
      }
      %while3A_64 = arith.constant 1 : i32
      scf.for %while3A_65 = %while3A_62 to %while3A_58 step %while3A_64  : i32 {
        %mul3A_66 = arith.muli %while3A_65, %while3A_54 : i32
        %add3A_67 = arith.addi %while3A_55, %mul3A_66 : i32
        %mul3A_68 = arith.constant 56 : i32
        %mul3A_69 = arith.muli %add3A_67, %mul3A_68 : i32
        %add3A_70 = arith.addi %squeeze3A, %mul3A_69 : i32
        %jit3A_71 = arith.constant 8 : i32
        %div3A_72 = arith.divsi %add3A_70, %jit3A_71 : i32
        %sign3A_73 = arith.constant 0 : i32
        %sign3A_74 = arith.cmpi sgt, %add3A_70, %sign3A_73 : i32
        %sign3A_75 = arith.extui %sign3A_74 : i1 to i32
        %sign3A_76 = arith.constant 0 : i32
        %sign3A_77 = arith.cmpi slt, %add3A_70, %sign3A_76 : i32
        %sign3A_78 = arith.extui %sign3A_77 : i1 to i32
        %sign3A_79 = arith.subi %sign3A_75, %sign3A_78 : i32
        %sign3A_80 = arith.constant 0 : i32
        %sign3A_81 = arith.cmpi sgt, %jit3A_71, %sign3A_80 : i32
        %sign3A_82 = arith.extui %sign3A_81 : i1 to i32
        %sign3A_83 = arith.constant 0 : i32
        %sign3A_84 = arith.cmpi slt, %jit3A_71, %sign3A_83 : i32
        %sign3A_85 = arith.extui %sign3A_84 : i1 to i32
        %sign3A_86 = arith.subi %sign3A_82, %sign3A_85 : i32
        %ne3A_87 = arith.cmpi ne, %sign3A_79, %sign3A_86 : i32
        %rem3A_88 = arith.remsi %add3A_70, %jit3A_71 : i32
        %ne3A_89 = arith.constant 0 : i32
        %ne3A_90 = arith.cmpi ne, %rem3A_88, %ne3A_89 : i32
        %and3A_91 = arith.andi %ne3A_87, %ne3A_90 : i1
        %sub3A_92 = arith.constant 1 : i32
        %sub3A_93 = arith.subi %div3A_72, %sub3A_92 : i32
        %select_n3A_94 = arith.select %and3A_91, %sub3A_93, %div3A_72 : i32
        %mul3A_95 = arith.constant 8 : i32
        %mul3A_96 = arith.muli %select_n3A_94, %mul3A_95 : i32
        %min3A = arith.constant 16320 : i32
        %min3A_97 = arith.minsi %mul3A_96, %min3A : i32
        "tpu.region"() ({
          %run_scoped3A = tpu.sem_alloc : memref<!tpu.dma_semaphore, #tpu.memory_space<semaphore_mem>>
          %dma_start3A = tpu.memref_slice %arg11[%min3A_97] : memref<16400xi32, #tpu.memory_space<vmem>> -> memref<64xi32, #tpu.memory_space<vmem>>
          %dma_start3A_120 = arith.constant 0 : i32
          %dma_start3A_121 = arith.constant 0 : i32
          %dma_start3A_122 = tpu.memref_slice %arg4[%dma_start3A_120, %dma_start3A_121] : memref<16384x128xf32, #tpu.memory_space<hbm>> -> memref<16384x128xf32, #tpu.memory_space<hbm>>
          tpu.enqueue_indirect_dma source(%dma_start3A_122 : memref<16384x128xf32, #tpu.memory_space<hbm>>) target(%arg10 : memref<64x128xf32, #tpu.memory_space<vmem>>) offsets(%dma_start3A : memref<64xi32, #tpu.memory_space<vmem>>) semaphore(%run_scoped3A : memref<!tpu.dma_semaphore, #tpu.memory_space<semaphore_mem>>)
          %dma_wait3A = tpu.memref_slice %arg11[%min3A_97] : memref<16400xi32, #tpu.memory_space<vmem>> -> memref<64xi32, #tpu.memory_space<vmem>>
          %dma_wait3A_123 = arith.constant 0 : i32
          %dma_wait3A_124 = arith.constant 0 : i32
          %dma_wait3A_125 = tpu.memref_slice %arg4[%dma_wait3A_123, %dma_wait3A_124] : memref<16384x128xf32, #tpu.memory_space<hbm>> -> memref<16384x128xf32, #tpu.memory_space<hbm>>
          tpu.wait_indirect_dma semaphore(%run_scoped3A : memref<!tpu.dma_semaphore, #tpu.memory_space<semaphore_mem>>) src(%dma_wait3A_125 : memref<16384x128xf32, #tpu.memory_space<hbm>>) dst(%arg10 : memref<64x128xf32, #tpu.memory_space<vmem>>)
          tpu.yield
        }) : () -> ()
        %sub3A_98 = arith.subi %squeeze3A_24, %add3A_70 : i32
        %min3A_99 = arith.constant 56 : i32
        %min3A_100 = arith.minsi %sub3A_98, %min3A_99 : i32
        %sub3A_101 = arith.constant 0 : i32
        %sub3A_102 = arith.subi %min3A_100, %sub3A_101 : i32
        %sub3A_103 = arith.constant 1 : i32
        %sub3A_104 = arith.constant 1 : i32
        %sub3A_105 = arith.subi %sub3A_103, %sub3A_104 : i32
        %add3A_106 = arith.addi %sub3A_102, %sub3A_105 : i32
        %div3A_107 = arith.constant 1 : i32
        %div3A_108 = arith.divsi %add3A_106, %div3A_107 : i32
        %while3A_109 = arith.constant 1 : i32
        %while3A_110 = arith.constant 0 : i32
        %while3A_111 = arith.constant 0 : i32
        %while3A_112 = arith.subi %div3A_108, %while3A_111 : i32
        %while3A_113 = arith.addi %while3A_111, %while3A_112 : i32
        %while3A_114 = arith.constant 1 : i32
        %while3A_115 = arith.divsi %while3A_112, %while3A_114 : i32
        %while3A_116 = arith.muli %while3A_115, %while3A_114 : i32
        %while3A_117 = arith.addi %while3A_111, %while3A_116 : i32
        %while3A_118 = arith.constant 1 : i32
        scf.for %while3A_120 = %while3A_111 to %while3A_117 step %while3A_118  : i32 {
          %mul3A_121 = arith.muli %while3A_120, %while3A_109 : i32
          %add3A_122 = arith.addi %while3A_110, %mul3A_121 : i32
          %add3A_123 = arith.addi %add3A_70, %add3A_122 : i32
          %sub3A_124 = arith.subi %add3A_123, %min3A_97 : i32
          %broadcast_in_dim3A = vector.broadcast %sub3A_124 : i32 to vector<16xi32>
          %broadcast_in_dim3A_125 = vector.broadcast %add3A_123 : i32 to vector<16xi32>
          %gather3A_126 = tpu.vector_load_idx %arg9[%broadcast_in_dim3A_125] : memref<16400xi32, #tpu.memory_space<vmem>>[vector<16xi32>], vector<16xi32>,
          %sub3A_127 = vector.broadcast %mul3A_20 : i32 to vector<16xi32>
          %sub3A_128 = arith.subi %gather3A_126, %sub3A_127 : vector<16xi32>
          %gather3A_129 = tpu.vector_load_idx %arg10[%broadcast_in_dim3A, %iota3A] : memref<64x128xf32, #tpu.memory_space<vmem>>[vector<16xi32>, vector<16xi32>], vector<16xf32>,
          %add3A_130 = arith.constant 16 : i32
          %add3A_131 = vector.broadcast %add3A_130 : i32 to vector<16xi32>
          %add3A_132 = arith.addi %iota3A, %add3A_131 : vector<16xi32>
          %gather3A_133 = tpu.vector_load_idx %arg10[%broadcast_in_dim3A, %add3A_132] : memref<64x128xf32, #tpu.memory_space<vmem>>[vector<16xi32>, vector<16xi32>], vector<16xf32>,
          tpu.vector_store_idx %arg8[%iota3A, %sub3A_128], %gather3A_129 {add = true} : memref<32x2688xf32, #tpu.memory_space<vmem>>[vector<16xi32>, vector<16xi32>], vector<16xf32>,
          %add3A_134 = arith.constant 16 : i32
          %add3A_135 = vector.broadcast %add3A_134 : i32 to vector<16xi32>
          %add3A_136 = arith.addi %iota3A, %add3A_135 : vector<16xi32>
          tpu.vector_store_idx %arg8[%add3A_136, %sub3A_128], %gather3A_133 {add = true} : memref<32x2688xf32, #tpu.memory_space<vmem>>[vector<16xi32>, vector<16xi32>], vector<16xf32>,
        }
        %while3A_119 = arith.constant 1 : i32
        scf.for %while3A_120 = %while3A_117 to %while3A_113 step %while3A_119  : i32 {
          %mul3A_121 = arith.muli %while3A_120, %while3A_109 : i32
          %add3A_122 = arith.addi %while3A_110, %mul3A_121 : i32
          %add3A_123 = arith.addi %add3A_70, %add3A_122 : i32
          %sub3A_124 = arith.subi %add3A_123, %min3A_97 : i32
          %broadcast_in_dim3A = vector.broadcast %sub3A_124 : i32 to vector<16xi32>
          %broadcast_in_dim3A_125 = vector.broadcast %add3A_123 : i32 to vector<16xi32>
          %gather3A_126 = tpu.vector_load_idx %arg9[%broadcast_in_dim3A_125] : memref<16400xi32, #tpu.memory_space<vmem>>[vector<16xi32>], vector<16xi32>,
          %sub3A_127 = vector.broadcast %mul3A_20 : i32 to vector<16xi32>
          %sub3A_128 = arith.subi %gather3A_126, %sub3A_127 : vector<16xi32>
          %gather3A_129 = tpu.vector_load_idx %arg10[%broadcast_in_dim3A, %iota3A] : memref<64x128xf32, #tpu.memory_space<vmem>>[vector<16xi32>, vector<16xi32>], vector<16xf32>,
          %add3A_130 = arith.constant 16 : i32
          %add3A_131 = vector.broadcast %add3A_130 : i32 to vector<16xi32>
          %add3A_132 = arith.addi %iota3A, %add3A_131 : vector<16xi32>
          %gather3A_133 = tpu.vector_load_idx %arg10[%broadcast_in_dim3A, %add3A_132] : memref<64x128xf32, #tpu.memory_space<vmem>>[vector<16xi32>, vector<16xi32>], vector<16xf32>,
          tpu.vector_store_idx %arg8[%iota3A, %sub3A_128], %gather3A_129 {add = true} : memref<32x2688xf32, #tpu.memory_space<vmem>>[vector<16xi32>, vector<16xi32>], vector<16xf32>,
          %add3A_134 = arith.constant 16 : i32
          %add3A_135 = vector.broadcast %add3A_134 : i32 to vector<16xi32>
          %add3A_136 = arith.addi %iota3A, %add3A_135 : vector<16xi32>
          tpu.vector_store_idx %arg8[%add3A_136, %sub3A_128], %gather3A_133 {add = true} : memref<32x2688xf32, #tpu.memory_space<vmem>>[vector<16xi32>, vector<16xi32>], vector<16xf32>,
        }
      }
      "tpu.region"() ({
        %run_scoped3A = tpu.sem_alloc : memref<!tpu.dma_semaphore, #tpu.memory_space<semaphore_mem>>
        %dma_start3A = arith.constant 0 : i32
        %dma_start3A_65 = tpu.memref_slice %arg7[%dma_start3A, %mul3A_20] : memref<32x1000000xf32, #tpu.memory_space<hbm>> -> memref<32x2688xf32, #tpu.memory_space<hbm>>
        %dma_start3A_66 = arith.constant 0 : i32
        %dma_start3A_67 = tpu.memref_slice %arg7[%dma_start3A_66, %mul3A_20] : memref<32x1000000xf32, #tpu.memory_space<hbm>> -> memref<32x2688xf32, #tpu.memory_space<hbm>>
        tpu.enqueue_dma source(%arg8 : memref<32x2688xf32, #tpu.memory_space<vmem>>) target(%dma_start3A_67 : memref<32x2688xf32, #tpu.memory_space<hbm>>) target_semaphore(%run_scoped3A : memref<!tpu.dma_semaphore, #tpu.memory_space<semaphore_mem>>)
        %dma_wait3A = arith.constant 0 : i32
        %dma_wait3A_68 = tpu.memref_slice %arg7[%dma_wait3A, %mul3A_20] : memref<32x1000000xf32, #tpu.memory_space<hbm>> -> memref<32x2688xf32, #tpu.memory_space<hbm>>
        %dma_wait3A_69 = arith.constant 0 : i32
        %dma_wait3A_70 = tpu.memref_slice %arg7[%dma_wait3A_69, %mul3A_20] : memref<32x1000000xf32, #tpu.memory_space<hbm>> -> memref<32x2688xf32, #tpu.memory_space<hbm>>
        tpu.wait_dma2 semaphore(%run_scoped3A : memref<!tpu.dma_semaphore, #tpu.memory_space<semaphore_mem>>) src(%arg8 : memref<32x2688xf32, #tpu.memory_space<vmem>>) dst(%dma_wait3A_70 : memref<32x2688xf32, #tpu.memory_space<hbm>>)
        tpu.yield
      }) : () -> ()
    }
    return
  }
}

</mosaic_0001>

<sc_bundles>
// kernel: kernel.3.cloned.1.call-start
scs
__scs_entry_jumppad:
0x0: {  	(pc) =	sbr.rel $0x88, $3  }
0x1: {  	(tag) =	ssettag $0x0;
	lr =	simm.s32 $0x1  }
0x2: {  	[smem:$0x3F9E] =	sst lr;
	_ =	strace $0xD0000000  }
0x3: {  	_ = 	snop  }
0x4: {  	_ = 	snop  }
0x5: {  	_ = 	snop  }
0x6: {  	_ = 	snop  }
0x7: {  	_ = 	snop  }
__scs_overlays_trampoline_lowered:
0x8: {  	[smem:$0x3FAD] =	sst s0  }
0x9: {  	[smem:$0x3FAE] =	sst s1  }
0xa: {  	[smem:$0x3FAF] =	sst s2  }
0xb: {  	[smem:$0x3FB0] =	sst s3  }
0xc: {  	[smem:$0x3FB1] =	sst s4  }
0xd: {  	[smem:$0x3FB2] =	sst s5  }
0xe: {  	[smem:$0x3FB3] =	sst s6  }
0xf: {  	[smem:$0x3FB4] =	sst s7  }
0x10: {  	[smem:$0x3FB5] =	sst s8  }
0x11: {  	[smem:$0x3FB6] =	sst s9;
	s0 =	simm.s32 @!p0 $0x0  }
0x12: {  	s1 =	sld [smem:$0x3F9C];
	s0 =	simm.s32 @p0 $0x1  }
0x13: {  	[smem:$0x3FB7] =	sst s0;
	s0 =	simm.s32 @!p1 $0x0  }
0x14: {  	s2 =	sld [smem:$0x3F9B];
	s0 =	simm.s32 @p1 $0x1  }
0x15: {  	[smem:$0x3FB8] =	sst s0;
	s0 =	simm.s32 @!p2 $0x0  }
0x16: {  	s3 =	sld [smem:$0x3FDB];
	s0 =	simm.s32 @p2 $0x1  }
0x17: {  	s4 =	simm.s32 $0x1BF5;
	[smem:$0x3FBA] =	sst s0  }
0x18: {  	s0 =	sld [smem:$0x3F9D];
	_ =	swait.ge [sflag:s4], $0x0  }
0x19: {  	s7 =	sld [smem:$0x3F9E]  }
0x1a: {  	s8 =	sadd.s32 $0xFFFFE003, lr  }
0x1b: {  	s9 =	sadd.s32 $0xFFFFFEF7, lr;
	s5 =	simm.s32 $0xFFFFFFFF;
	p2 =	slt.u32 s8, $0xFFFFF086  }
0x1c: {  	p1 =	slt.u32 s9, $0xF7A;
	s5 =	simm.s32 @!p2 $0x0  }
0x1d: {  	s5 =	simm.s32 @p1 $0x1;
	p0 =	seq.s32 s7, s2  }
0x1e: {  	s7 =	smul.u32 @!p0 $0xF7A, s2;
	p2 =	seq.s32 @!p0 s5, $0x0  }
0x1f: {  	s9 =	smul.u32 $0xF7A, s1;
	s8 =	simm.s32 @!p0 $0x1BF5;
	p2 =	por !p2, p0  }
0x20: {  	[sflag:s8] =	ssyncset.s32 @!p0 $0xFFFFF086;
	s6 =	sadd.s32 @!p0 s3, s7;
	s7 =	simm.s32 @!p0 $0x108  }
0x21: {  	s3 =	sadd.s32 s3, s9;
	s6 =	sadd.s32 @!p0 $0x88, s6;
	s7 =	simm.s32 @p2 $0x1082  }
0x22: {  	[simem:s7], [sflag:s8] =	dma.local @!p0 [hbm:s6], $0xF7A  }
0x23: {  	s9 =	sor.u32 $0xD0000000, s2;
	s6 =	simm.s32 $0x108;
	_ =	swait.ge @!p0 [sflag:s8], $0x0  }
0x24: {  	s3 =	sadd.s32 $0x88, s3;
	s6 =	simm.s32 @!p1 $0x1082;
	[sflag:s4] =	ssyncset.s32 $0xFFFFF086  }
0x25: {  	[simem:s6], [sflag:s4] =	dma.local [hbm:s3], $0xF7A  }
0x26: {  	[smem:$0x3F9E] =	sst s1;
	(tag) =	ssettag s2;
	_ =	strace s9  }
0x27: {  	s1 =	sld [smem:$0x3FAE]  }
0x28: {  	s2 =	sld [smem:$0x3FAF]  }
0x29: {  	s4 =	sld [smem:$0x3FB1]  }
0x2a: {  	p0 =	seq.s32 s5, $0x0;
	s5 =	sld [smem:$0x3FB2]  }
0x2b: {  	s6 =	sld [smem:$0x3FB3]  }
0x2c: {  	s7 =	sld [smem:$0x3FB4]  }
0x2d: {  	s3 =	simm.s32 $0x108;
	s8 =	sld [smem:$0x3FB5]  }
0x2e: {  	s3 =	simm.s32 @!p0 $0x1082;
	s9 =	sld [smem:$0x3FB6]  }
0x2f: {  	lr =	sadd.s32 s0, s3;
	s0 =	sld [smem:$0x3FAD]  }
0x30: {  	s3 =	sld [smem:$0x3FB0]  }
0x31: {  	[smem:$0x3FB9] =	sst s10  }
0x32: {  	s10 =	sld [smem:$0x3FB7];
	_ =	sdelay $0x3  }
0x33: {  	p0 =	seq.s32 s10, $0x1;
	s10 =	sld [smem:$0x3FB9];
	_ =	sdelay $0x3  }
0x34: {  	[smem:$0x3FB9] =	sst s10  }
0x35: {  	s10 =	sld [smem:$0x3FB8];
	_ =	sdelay $0x3  }
0x36: {  	p1 =	seq.s32 s10, $0x1;
	s10 =	sld [smem:$0x3FB9];
	_ =	sdelay $0x3  }
0x37: {  	[smem:$0x3FB9] =	sst s10  }
0x38: {  	s10 =	sld [smem:$0x3FBA]  }
0x39: {  	_ = 	snop;
	(pc) =	sbr.ind lr, $3  }
0x3a: {  	_ = 	snop  }
0x3b: {  	_ = 	snop  }
0x3c: {  	p2 =	seq.s32 s10, $0x1;
	s10 =	sld [smem:$0x3FB9]  }
0x3d: {  	_ =	shalt  }
0x3e: {  	_ =	shalt  }
0x3f: {  	_ =	shalt  }
0x40: {  	_ =	shalt  }
0x41: {  	_ =	shalt  }
0x42: {  	_ =	shalt  }
0x43: {  	_ =	shalt  }
0x44: {  	_ =	shalt  }
0x45: {  	_ =	shalt  }
0x46: {  	_ =	shalt  }
0x47: {  	_ =	shalt  }
0x48: {  	_ =	shalt  }
0x49: {  	_ =	shalt  }
0x4a: {  	_ =	shalt  }
0x4b: {  	_ =	shalt  }
0x4c: {  	_ =	shalt  }
0x4d: {  	_ =	shalt  }
0x4e: {  	_ =	shalt  }
0x4f: {  	_ =	shalt  }
0x50: {  	_ =	shalt  }
0x51: {  	_ =	shalt  }
0x52: {  	_ =	shalt  }
0x53: {  	_ =	shalt  }
0x54: {  	_ =	shalt  }
0x55: {  	_ =	shalt  }
0x56: {  	_ =	shalt  }
0x57: {  	_ =	shalt  }
0x58: {  	_ =	shalt  }
0x59: {  	_ =	shalt  }
0x5a: {  	_ =	shalt  }
0x5b: {  	_ =	shalt  }
0x5c: {  	_ =	shalt  }
0x5d: {  	_ =	shalt  }
0x5e: {  	_ =	shalt  }
0x5f: {  	_ =	shalt  }
0x60: {  	_ =	shalt  }
0x61: {  	_ =	shalt  }
0x62: {  	_ =	shalt  }
0x63: {  	_ =	shalt  }
0x64: {  	_ =	shalt  }
0x65: {  	_ =	shalt  }
0x66: {  	_ =	shalt  }
0x67: {  	_ =	shalt  }
0x68: {  	_ =	shalt  }
0x69: {  	_ =	shalt  }
0x6a: {  	_ =	shalt  }
0x6b: {  	_ =	shalt  }
0x6c: {  	_ =	shalt  }
0x6d: {  	_ =	shalt  }
0x6e: {  	_ =	shalt  }
0x6f: {  	_ =	shalt  }
0x70: {  	_ =	shalt  }
0x71: {  	_ =	shalt  }
0x72: {  	_ =	shalt  }
0x73: {  	_ =	shalt  }
0x74: {  	_ =	shalt  }
0x75: {  	_ =	shalt  }
0x76: {  	_ =	shalt  }
0x77: {  	_ =	shalt  }
0x78: {  	_ =	shalt  }
0x79: {  	_ =	shalt  }
0x7a: {  	_ =	shalt  }
0x7b: {  	_ =	shalt  }
0x7c: {  	_ =	shalt  }
0x7d: {  	_ =	shalt  }
0x7e: {  	_ =	shalt  }
0x7f: {  	_ =	shalt  }
0x80: {  	_ =	shalt  }
0x81: {  	_ =	shalt  }
0x82: {  	_ =	shalt  }
0x83: {  	_ =	shalt  }
0x84: {  	_ =	shalt  }
0x85: {  	_ =	shalt  }
0x86: {  	_ =	shalt  }
0x87: {  	_ =	shalt  }
.Lfunc_end0:
.L_simem_size_0:
called_computation_lowered:
.L_overlay_start_0:
0x88: {  	s2 =	sld [smem:$0x3FD9]  }
0x89: {  	s3 =	sld [smem:$0x3FFE];
	_ =	sdelay $0x1  }
0x8a: {  	s1 =	srdreg.scid  }
0x8b: {  	s0 =	sand.u32 $0x1, s1  }
0x8c: {  	s17 =	sshll.u32 s0, $0xA;
	s2 =	sadd.s32 s3, s2  }
0x8d: {  	s2 =	sadd.s32 s2, s17  }
0x8e: {  	[smem:$0x3FC5] =	sst s2  }
0x8f: {  	_ = 	snop  }
0x90: {  	s2 =	sld [smem:$0x3FC9]  }
0x91: {  	s18 =	sld [smem:$0x3FD0];
	(tm) =	ssettm $0x1  }
0x92: {  	s4 =	sld [smem:$0x3FFB];
	_ =	sdelay $0x3  }
0x93: {  	_ =	strace s4  }
0x94: {  	s4 =	sld [smem:$0x3FFC];
	_ =	sdelay $0x3  }
0x95: {  	_ =	strace s4  }
0x96: {  	s4 =	sld [smem:$0x3FFD];
	_ =	sdelay $0x3  }
0x97: {  	_ =	strace s4  }
0x98: {  	_ =	strace $0x8FFFFFFF  }
0x99: {  	s19 =	sld [smem:$0x3FDB];
	_ =	sdelay $0x1  }
0x9a: {  	s5 =	simm.s32 $_scs_section_size  }
0x9b: {  	s6 =	simm.s32 $_size__tile_overlayer_lowered;
	s7 =	simm.s32 $_tile_overlayer_lowered  }
0x9c: {  	s22 =	simm.s32 $0x1BFF;
	s21 =	sshll.u32 s7, $0x1;
	s4 =	sadd.s32 s5, s19  }
0x9d: {  	s8 =	simm.s32 $0x0;
	s20 =	sshll.u32 s6, $0x1;
	s6 =	sadd.s32 s21, s4  }
0x9e: {  	[timem:s8], [sflag:s22] =	dma.local [hbm:s6], s20  }
0x9f: {  	_ =	swait.ge [sflag:s22], s20  }
0xa0: {  	s5 =	ssub.s32 $0x0, s20;
	[sflag:s22] =	ssyncset.done $0x0  }
0xa1: {  	[sflag:s22] =	ssyncadd.s32 s5;
	_ =	sdelay $0x1  }
0xa2: {  	s23 =	simm.s32 $0x1B8B  }
0xa3: {  	_ =	swait.ge [sflag:s23], $0x1  }
0xa4: {  	[sflag:s23] =	ssyncset.done $0x0  }
0xa5: {  	s25 =	simm.s32 $0x1B8E;
	s24 =	sld [smem:$0x3FFE];
	[sflag:s23] =	ssyncadd.s32 $0xFFFFFFFF  }
0xa6: {  	s26 =	simm.s32 $execute0_lowered;
	[smem:$0x3FD2] =	sst s25  }
0xa7: {  	s6 =	sshll.u32 s26, $0x1;
	_ =	strace $0x80000046;
	[dreg:$0x1] =	wrdreg $0xFFFFFFFF  }
0xa8: {  	s28 =	simm.s32 $_size_execute0_lowered;
	s4 =	sadd.s32 s4, s6;
	[dreg:$0x0] =	wrdreg $0x0  }
0xa9: {  	s6 =	sshll.u32 s28, $0x1;
	[dreg:$0x2] =	wrdreg s4  }
0xaa: {  	[dreg:$0x3] =	wrdreg s6  }
0xab: {  	[dreg:$0x4] =	wrdreg $0xC0  }
0xac: {  	_ =	task [dreg:s8], $0x5FFFF  }
0xad: {  	[dreg:$0x1] =	wrdreg $0xFFFFFFFF  }
0xae: {  	[dreg:$0x0] =	wrdreg $0x60  }
0xaf: {  	[dreg:$0x2] =	wrdreg s2  }
0xb0: {  	[dreg:$0x3] =	wrdreg s24  }
0xb1: {  	[dreg:$0x4] =	wrdreg s18  }
0xb2: {  	[dreg:$0x5] =	wrdreg $0x9  }
0xb3: {  	_ =	task.clear_ibuf [dreg:s8], $0x6FFFF;
	_ =	strace $0x90000046  }
0xb4: {  	s29 =	simm.s32 $0x9;
	_ =	strace $0x80000048  }
0xb5: {  	_ =	swait.ge [sflag:s29], $0x1  }
0xb6: {  	[sflag:s29] =	ssyncadd.s32 $0xFFFFFFFF  }
0xb7: {  	_ =	strace $0x90000048  }
0xb8: {  	_ =	sfence  }
0xb9: {  	s30 =	sld [smem:$0x0];
	_ =	sdelay $0x2  }
0xba: {  	s31 =	sshll.u32 s1, $0xD;
	s1 =	sshrl.u32 s1, $0x2  }
0xbb: {  	s3 =	sand.u32 $0x4000, s31;
	s1 =	sadd.s32 s1, s30  }
0xbc: {  	s0 =	sor.u32 s3, s0;
	s1 =	sshll.u32 s1, $0x11  }
0xbd: {  	s0 =	sor.u32 s1, s0  }
0xbe: {  	s0 =	sadd.s32 $0x8F2B, s0  }
0xbf: {  	[sflag:s0] =	ssyncadd.remote.s32 $0x1  }
0xc0: {  	_ =	sfence.sel $0xFFFF  }
0xc1: {  	[dreg:$0x0] =	wrdreg $0xFFFFFFFF;
	(pc) =	sbr.abs _section_cstart, $3  }
0xc2: {  	[dreg:$0x1] =	wrdreg $0xFFFFFFFF  }
0xc3: {  	_ =	task.clear_ibuf [dreg:s8], $0x2FFFF;
	_ =	strace $0x9FFFFFFF  }
0xc4: {  	(tm) =	ssettm $0x7FFFFFFF  }
0xc5: {  	_ =	shalt  }
tec
execute0_lowered:
.L_overlay_start_1:
0x0: {  	(tag) =	ssettag $0x1  }
0x1: {  	v0 =	vlaneseq.u32  }
0x2: {  	v1 =	vimm.s32 $0x5780;
	vm0 =	vcmask $0x300;
	v2 =	vimm.s32 $0xFF80  }
0x3: {  	vm1 =	vcmask $0x704;
	v1 =	vsel vm0, $0x0, v1;
	v2 =	vsel vm0, $0xA800, v2  }
0x4: {  	vm15 =	vcmask $0xB08;
	v1 =	vsel vm1, $0x80, v1;
	v2 =	vsel vm1, $0xA880, v2  }
0x5: {  	vm4 =	vcmask $0xF0C;
	v1 =	vsel vm15, $0x100, v1;
	v2 =	vsel vm15, $0xA900, v2  }
0x6: {  	s0 =	rddreg [dreg:$0x0];
	vm5 =	vcmask $0x1310;
	v1 =	vsel vm4, $0x180, v1;
	v2 =	vsel vm4, $0xA980, v2  }
0x7: {  	s1 =	rddreg [dreg:$0x1];
	vm6 =	vcmask $0x1714;
	v1 =	vsel vm5, $0x200, v1;
	v2 =	vsel vm5, $0xAA00, v2  }
0x8: {  	s3 =	rddreg [dreg:$0x2];
	vm7 =	vcmask $0x1B18;
	v1 =	vsel vm6, $0x280, v1;
	v2 =	vsel vm6, $0xAA80, v2  }
0x9: {  	s4 =	simm.s32 $0x0;
	s2 =	srdreg.scid;
	vm8 =	vcmask $0x1F1C;
	s5 =	stileid.u32;
	v1 =	vsel vm7, $0x300, v1;
	v2 =	vsel vm7, $0xAB00, v2  }
0xa: {  	vm9 =	vcmask $0x2320;
	s12 =	simm.s32 $0x15000;
	s13 =	simm.s32 $0x1B080;
	s14 =	simm.s32 $0x1F100;
	v1 =	vsel vm8, $0x380, v1;
	v2 =	vsel vm8, $0xAB80, v2  }
0xb: {  	vm10 =	vcmask $0x2724;
	s15 =	simm.s32 $0x1;
	s16 =	simm.s32 $0x5400;
	s17 =	simm.s32 $0x7A1400;
	v1 =	vsel vm9, $0x5400, v1;
	v2 =	vsel vm9, $0xFC00, v2  }
0xc: {  	vm11 =	vcmask $0x2B28;
	s18 =	simm.s32 $0x40;
	s19 =	simm.s32 $0x19080;
	s20 =	simm.s32 $0x0;
	v1 =	vsel vm10, $0x5480, v1;
	v2 =	vsel vm10, $0xFC80, v2  }
.Ltmp0:
0xd: {  	vm12 =	vcmask $0x2F2C;
	[smem:$0x7FF] =	sst s4;
	s2 =	sand.u32 $0x1, s2;
	v1 =	vsel vm11, $0x5500, v1;
	v2 =	vsel vm11, $0xFD00, v2;
	(pc) =	sbr.rel .LBB2_1-.Ltmp0, $4  }
0xe: {  	vm13 =	vcmask $0x3330;
	s7 =	sshll.u32 s5, $0x1;
	s6 =	sadd.s32 $0x800, s1;
	s9 =	ssub.s32 $0x2, s2;
	v1 =	vsel vm12, $0x5580, v1;
	v2 =	vsel vm12, $0xFD80, v2  }
0xf: {  	vm14 =	vcmask $0x3734;
	s8 =	sadd.s32 $0x1200, s1;
	s7 =	sor.u32 s7, s2;
	s10 =	sshrl.u32 s9, $0x1;
	v1 =	vsel vm13, $0x5600, v1;
	v2 =	vsel vm13, $0xFE00, v2  }
0x10: {  	_ =	strace $0x80000047;
	s31 =	ssub.s32 $0x193, s7;
	vm15 =	vcmask $0x3B38;
	s30 =	ssub.s32 s9, s10;
	v3 =	vsel vm14, $0x5680, v1;
	v4 =	vsel vm14, $0xFE80, v2  }
0x11: {  	s9 =	sadd.s32 $0x1000, s1;
	s10 =	sshrl.u32 s31, $0x5;
	s11 =	smax.u32 s30, $0x1;
	v1 =	vor.u32 $0x10, v0;
	v2 =	vsel vm15, $0x5700, v3;
	v3 =	vsel vm15, $0xFF00, v4  }
.LBB2_12:
0x12: {  	s20 =	sadd.s32 $0x1, s20  }
0x13: {  	p0 =	sne.s32 s20, s11  }
.Ltmp1:
0x14: {  	_ = 	snop;
	(pc) =	sbr.rel @!p0 .LBB2_13-.Ltmp1, $1  }
0x15: {  	_ =	sdelay $0x3  }
.LBB2_1:
0x16: {  	[tilespmem:s12], [sflag:$0x1] =	stream.linear.gather [hbm4b:s6+s4], $0x4000, $0x38;
	[tilespmem:$0x1F300] =	vst v63  }
0x17: {  	_ =	swait.ge [sflag:s15], $0x4000  }
0x18: {  	[sflag:s15] =	ssyncset.done $0x0  }
0x19: {  	[sflag:s15] =	ssyncadd.s32 $0xFFFFC000  }
0x1a: {  	[tilespmem:s13], [sflag:$0x1] =	stream.linear.gather [hbm4b:s1+s4], $0x4000, $0x38;
	[tilespmem:$0x1F300] =	vst v63  }
0x1b: {  	_ =	swait.ge [sflag:s15], $0x4000  }
0x1c: {  	[sflag:s15] =	ssyncset.done $0x0  }
.Ltmp2:
0x1d: {  	[sflag:s15] =	ssyncadd.s32 $0xFFFFC000;
	(pc) =	sbr.rel .LBB2_2-.Ltmp2, $4  }
0x1e: {  	[tilespmem:s14], [sflag:$0x1] =	stream.linear.gather [hbm4b:s9+s4], $0x179, $0x38;
	[tilespmem:$0x1F300] =	vst v63  }
0x1f: {  	_ =	swait.ge [sflag:s15], $0x179  }
0x20: {  	[sflag:s15] =	ssyncset.done $0x0  }
0x21: {  	s21 =	simm.s32 $0x0;
	[sflag:s15] =	ssyncadd.s32 $0xFFFFFE87  }
.LBB2_11:
0x22: {  	s21 =	sadd.s32 $0x1, s21  }
0x23: {  	p0 =	sne.s32 s21, s10  }
.Ltmp3:
0x24: {  	s2 =	sadd.s32 s3, s22;
	(pc) =	sbr.rel @!p0 .LBB2_12-.Ltmp3, $4  }
0x25: {  	[hbm4b:s2+s16] =	stream.strided.scatter [tilespmem:s4], [sflag:$0x1], $0x15000, s17, s16, $0x38;
	[tilespmem:$0x1F300] =	vst v63  }
0x26: {  	_ =	swait.ge [sflag:s15], $0x15000  }
0x27: {  	[sflag:s15] =	ssyncset.done $0x0  }
0x28: {  	[sflag:s15] =	ssyncadd.s32 $0xFFFEB000  }
.LBB2_2:
0x29: {  	s2 =	sshll.u32 s21, $0x5  }
0x2a: {  	s2 =	sor.u32 s7, s2  }
0x2b: {  	s22 =	smul.u32 $0x5400, s2;
	_ =	sdelay $0x1  }
0x2c: {  	s22 =	sshrl.u32 s22, $0x3  }
0x2d: {  	v4 =	vadd.s32 s2, v0;
	s23 =	sadd.s32 s0, s22  }
0x2e: {  	[tilespmem:s4], [sflag:$0x1] =	stream.strided.gather [hbm4b:s23+s16], $0x15000, s17, s16, $0x38;
	[tilespmem:$0x1F300] =	vst v63  }
0x2f: {  	_ =	swait.ge [sflag:s15], $0x15000  }
0x30: {  	[sflag:s15] =	ssyncset.done $0x0  }
0x31: {  	[sflag:s15] =	ssyncadd.s32 $0xFFFEB000  }
0x32: {  	v4 =	vld.idx.msk [tilespmem:v4+s14+$0x0], $0xffff;
	_ =	sdelay $0x4  }
0x33: {  	(v2sf) =	vpush v4, $0x0  }
0x34: {  	(v2sf) =	vpush v4, $0x1;
	_ =	sdelay $0xd  }
0x35: {  	s23 =	spop (v2sf)  }
0x36: {  	s24 =	spop (v2sf)  }
0x37: {  	s25 =	ssub.s32 s24, s23  }
0x38: {  	s26 =	sadd.s32 $0x37, s25  }
0x39: {  	s28 =	smulhi.u32 $0x92492493, s26;
	s29 =	sshra.s32 s26, $0x1F  }
0x3a: {  	s30 =	ssub.s32 $0xFFFFFFC9, s25;
	s29 =	smul.u32 $0x92492493, s29  }
0x3b: {  	s28 =	sadd.s32 s30, s28  }
0x3c: {  	s28 =	sadd.s32 s29, s28  }
0x3d: {  	s28 =	sadd.s32 s26, s28  }
0x3e: {  	s31 =	sshrl.u32 s28, $0x1F;
	s28 =	sshra.s32 s28, $0x5  }
0x3f: {  	s28 =	sadd.s32 s31, s28  }
0x40: {  	s29 =	smul.u32 $0xFFFFFFC8, s28;
	_ =	sdelay $0x1  }
0x41: {  	p0 =	slt.s32 s26, $0x1;
	p1 =	sne.s32 s29, s30  }
0x42: {  	p0 =	por !p0, !p1  }
0x43: {  	s26 =	simm.s32 $0x1;
	p0 =	por !p0, !p0  }
0x44: {  	s26 =	simm.s32 @!p0 $0x0  }
0x45: {  	s26 =	ssub.s32 s28, s26  }
0x46: {  	p0 =	slt.s32 s26, $0x1  }
.Ltmp4:
0x47: {  	_ = 	snop;
	(pc) =	sbr.rel @p0 .LBB2_11-.Ltmp4, $1  }
0x48: {  	_ =	sdelay $0x3  }
.Ltmp5:
0x49: {  	(pc) =	sbr.rel .LBB2_4-.Ltmp5, $4  }
0x4a: {  	_ = 	snop  }
0x4b: {  	s2 =	smul.u32 $0xFFFFF580, s2  }
0x4c: {  	s29 =	sand.u32 $0x7, s23  }
0x4d: {  	s28 =	simm.s32 $0x0;
	p0 =	sne.s32 s29, $0x0;
	s29 =	smov.u32 s23;
	v4 =	vmov s2  }
.LBB2_6:
0x4e: {  	s31 =	smov.u32 s29  }
.LBB2_9:
0x4f: {  	_ =	sdelay $0x3  }
0x50: {  	[tilespmem:v8+s4+$0x0] =	vst.idx.add.f32.msk @p1 $0xffff, v5  }
0x51: {  	[tilespmem:v9+s4+$0x0] =	vst.idx.add.f32.msk @p1 $0xffff, v7  }
0x52: {  	v5 =	vld.idx.msk [tilespmem:v6+s12+$0x0], $0xffff;
	_ =	sdelay $0x1  }
0x53: {  	s2 =	sadd.s32 s31, s30  }
0x54: {  	s2 =	sshll.u32 s2, $0x7  }
0x55: {  	v6 =	vor.u32 s2, v0  }
0x56: {  	v7 =	vor.u32 s2, v1;
	v63 =	vadd.s32 v4, v5  }
0x57: {  	v8 =	vshll.u32 v63, $0x3  }
0x58: {  	v5 =	vand.u32 $0x7F, v5;
	v8 =	vand.u32 $0xFFFFFC00, v8  }
0x59: {  	v5 =	vor.u32 v5, v8  }
0x5a: {  	v6 =	vld.idx.msk [tilespmem:v6+s19+$0x0], $0xffff;
	v8 =	vadd.s32 v2, v5  }
0x5b: {  	v7 =	vld.idx.msk [tilespmem:v7+s19+$0x0], $0xffff;
	v5 =	vadd.s32 v3, v5;
	_ =	sdelay $0x3  }
0x5c: {  	[tilespmem:v8+s4+$0x0] =	vst.idx.add.f32.msk $0xffff, v6  }
0x5d: {  	[tilespmem:v5+s4+$0x0] =	vst.idx.add.f32.msk $0xffff, v7  }
.LBB2_10:
0x5e: {  	s28 =	sadd.s32 $0x1, s28  }
0x5f: {  	p1 =	sne.s32 s28, s26  }
.Ltmp6:
0x60: {  	_ = 	snop;
	(pc) =	sbr.rel @!p1 .LBB2_11-.Ltmp6, $2  }
0x61: {  	_ =	sdelay $0x2  }
0x62: {  	s25 =	sadd.s32 $0xFFFFFFC8, s25;
	s29 =	sadd.s32 $0x38, s29  }
.LBB2_4:
0x63: {  	s2 =	smul.u32 $0x38, s28;
	_ =	sdelay $0x1  }
0x64: {  	s30 =	sadd.s32 s23, s2  }
0x65: {  	s2 =	sshra.s32 s30, $0x1F;
	p1 =	slt.s32 s30, $0x1  }
0x66: {  	s2 =	sshrl.u32 s2, $0x1D;
	p1 =	por !p0, !p1  }
0x67: {  	s31 =	simm.s32 $0x1;
	s2 =	sadd.s32 s2, s30;
	p1 =	por !p1, !p1  }
0x68: {  	s2 =	sshrl.u32 s2, $0x3;
	s31 =	simm.s32 @!p1 $0x0  }
0x69: {  	s2 =	ssub.s32 s2, s31  }
0x6a: {  	s2 =	sshll.u32 s2, $0x3  }
0x6b: {  	s30 =	ssub.s32 s24, s30;
	p1 =	slt.s32 s2, $0x3FC0  }
0x6c: {  	s2 =	simm.s32 @!p1 $0x3FC0;
	p1 =	slt.s32 s30, $0x1  }
.Ltmp7:
0x6d: {  	s5 =	sadd.s32 $0x1B080, s2;
	(pc) =	sbr.rel @p1 .LBB2_10-.Ltmp7, $4  }
0x6e: {  	[tilespmem:s19], [sflag:$0x1] =	stream.indirect.gather [hbm4b:s8+s18], $0x80, s5, s18, $0xb8;
	[tilespmem:$0x1F300] =	vst v63  }
0x6f: {  	_ =	swait.ge [sflag:s15], $0x2000  }
0x70: {  	[sflag:s15] =	ssyncset.done $0x0  }
0x71: {  	[sflag:s15] =	ssyncadd.s32 $0xFFFFE000  }
0x72: {  	p1 =	sgt.s32 s25, $0x1;
	s30 =	smov.u32 s25  }
0x73: {  	s30 =	simm.s32 @!p1 $0x1  }
0x74: {  	s31 =	smin.u32 s30, $0x38  }
0x75: {  	p2 =	sne.s32 s31, $0x1  }
.Ltmp8:
0x76: {  	_ = 	snop;
	(pc) =	sbr.rel @!p2 .LBB2_6-.Ltmp8, $2  }
0x77: {  	_ =	sdelay $0x2  }
0x78: {  	v6 =	vmov s29;
	p1 =	por $0x0, $0x0;
	s30 =	ssub.s32 $0x0, s2;
	s2 =	sadd.s32 $0xFFFFFFFF, s31  }
0x79: {  	_ =	sdelay $0x3  }
0x7a: {  	v5 =	vld.idx.msk [tilespmem:v6+s12+$0x0], $0xffff  }
0x7b: {  	s31 =	sadd.s32 s29, s30  }
0x7c: {  	s31 =	sshll.u32 s31, $0x7  }
0x7d: {  	v6 =	vor.u32 s31, v0;
	_ =	sdelay $0x1  }
0x7e: {  	v7 =	vor.u32 s31, v1;
	v8 =	vadd.s32 v4, v5  }
0x7f: {  	v8 =	vshll.u32 v8, $0x3  }
0x80: {  	p2 =	sne.s32 s2, $0x1;
	v9 =	vand.u32 $0x7F, v5;
	v8 =	vand.u32 $0xFFFFFC00, v8  }
.Ltmp9:
0x81: {  	v5 =	vld.idx.msk [tilespmem:v6+s19+$0x0], $0xffff;
	v6 =	vor.u32 v9, v8;
	(pc) =	sbr.rel @!p2 .LBB2_9-.Ltmp9, $4  }
0x82: {  	v8 =	vadd.s32 v2, v6  }
0x83: {  	s31 =	sadd.s32 $0x1, s29;
	v7 =	vld.idx.msk [tilespmem:v7+s19+$0x0], $0xffff;
	v9 =	vadd.s32 v3, v6  }
0x84: {  	v6 =	vmov s31  }
0x85: {  	s2 =	sadd.s32 $0xFFFFFFFF, s2;
	p1 =	por $0x1, $0x1  }
.LBB2_8:
0x86: {  	p2 =	sne.s32 s2, $0x1  }
0x87: {  	[tilespmem:v8+s4+$0x0] =	vst.idx.add.f32.msk $0xffff, v5  }
0x88: {  	[tilespmem:v9+s4+$0x0] =	vst.idx.add.f32.msk $0xffff, v7  }
0x89: {  	v5 =	vld.idx.msk [tilespmem:v6+s12+$0x0], $0xffff;
	_ =	sdelay $0x1  }
0x8a: {  	s5 =	sadd.s32 s31, s30  }
0x8b: {  	s5 =	sshll.u32 s5, $0x7  }
0x8c: {  	v6 =	vor.u32 s5, v0  }
0x8d: {  	v7 =	vor.u32 s5, v1  }
0x8e: {  	v8 =	vadd.s32 v4, v5  }
0x8f: {  	v8 =	vshll.u32 v8, $0x3  }
0x90: {  	v9 =	vand.u32 $0x7F, v5;
	v8 =	vand.u32 $0xFFFFFC00, v8  }
.Ltmp10:
0x91: {  	v5 =	vld.idx.msk [tilespmem:v6+s19+$0x0], $0xffff;
	v6 =	vor.u32 v9, v8;
	(pc) =	sbr.rel @p2 .LBB2_8-.Ltmp10, $4  }
0x92: {  	v7 =	vld.idx.msk [tilespmem:v7+s19+$0x0], $0xffff;
	v8 =	vadd.s32 v2, v6  }
0x93: {  	s31 =	sadd.s32 $0x1, s31;
	v9 =	vadd.s32 v3, v6  }
0x94: {  	v6 =	vmov s31  }
0x95: {  	s2 =	sadd.s32 $0xFFFFFFFF, s2  }
.Ltmp11:
0x96: {  	_ = 	snop;
	(pc) =	sbr.rel .LBB2_9-.Ltmp11, $1  }
0x97: {  	_ =	sdelay $0x3  }
.LBB2_13:
0x98: {  	_ =	sfence.sel $0x180000  }
0x99: {  	[bflag:$0x0] =	sbarrier.arrive $0xFFFF  }
0x9a: {  	_ =	strace $0x90000047  }
0x9b: {  	s0 =	stileid.u32;
	[bflag:$0x2] =	sbarrier.arrive $0xFFFF  }
0x9c: {  	p0 =	sne.s32 s0, $0x0;
	s0 =	rddreg [dreg:$0x3]  }
0x9d: {  	s0 =	sadd.s32 @!p0 $0x100000, s0  }
0x9e: {  	[sflag:s0] =	ssyncadd.tile.s32 @!p0 $0x1;
	_ =	shalt  }
.Lfunc_end2:
_tile_overlayer_lowered:
.L_overlay_start_2:
0x9f: {  	(tag) =	ssettag $0x2  }
0xa0: {  	s0 =	rddreg [dreg:$0x0];
	s2 =	stileid.u32  }
0xa1: {  	s1 =	rddreg [dreg:$0x1];
	p0 =	sne.s32 s2, $0x0  }
0xa2: {  	s3 =	rddreg [dreg:$0x2];
	[bflag:$0x3] =	sbarrier.arrive $0xFFFF;
	s2 =	simm.s32 @!p0 $0x1C01  }
0xa3: {  	[timem:s3], [sflag:s2] =	dma.local @!p0 [hbm:s0], s1  }
0xa4: {  	s0 =	simm.s32 @!p0 $0x1  }
0xa5: {  	_ =	swait.ge @!p0 [sflag:s0], s1  }
0xa6: {  	s1 =	ssub.s32 @!p0 $0x0, s1;
	[sflag:s0] =	ssyncset.done @!p0 $0x0  }
0xa7: {  	[sflag:s0] =	ssyncadd.s32 @!p0 s1  }
0xa8: {  	[bflag:$0x3] =	sbarrier.arrive $0xFFFF  }
0xa9: {  	_ =	shalt  }

</sc_bundles>
